<compile_context>
chip_gen: v7x
topology: tpu7x:2x2x1
jax: 0.10.2.dev20260603
libtpu: 0.0.44.dev20260713+nightly
codegen_flags: <defaults>
</compile_context>

<pallas_src>
import functools

import jax
import jax.numpy as jnp
from jax import lax
from jax.experimental import pallas as pl
from jax.experimental.pallas import tpu as pltpu
from jax.experimental.pallas import tpu_sc as plsc

NBITS = 11
B = 1 << NBITS
TB = 2 * B
NLANE = 16
TABW = TB * NLANE
NIMG = 16
N = 512 * 512
HALF = N // 2
CHUNK = 16384
NCHUNK = HALF // CHUNK
INT_MIN = -(1 << 31)

_mesh = plsc.VectorSubcoreMesh(core_axis_name="c", subcore_axis_name="s",
                               num_cores=2, num_subcores=16)


_HIST_KERNEL_ARGS = dict(
    out_type=[
        jax.ShapeDtypeStruct((NIMG, 2, TB), jnp.float32),
        jax.ShapeDtypeStruct((NIMG, 2, 16), jnp.float32),
    ],
    mesh=_mesh,
    compiler_params=pltpu.CompilerParams(needs_layout_passes=False),
    scratch_types=[
        pltpu.VMEM((CHUNK,), jnp.float32),
        pltpu.VMEM((CHUNK,), jnp.int32),
        pltpu.VMEM((TABW,), jnp.float32),
        pltpu.VMEM((TB,), jnp.float32),
        pltpu.VMEM((16,), jnp.float32),
    ],
)


def _hist_body(lg_hbm, tg_hbm, t_out, p_out, lg_v, tg_v, table, red_v, pcnt_v):
    c = lax.axis_index("c")
    s = lax.axis_index("s")

    @plsc.parallel_loop(0, TABW // 16, unroll=8)
    def _zero(i):
        table[pl.ds(i * 16, 16)] = jnp.zeros((16,), jnp.float32)

    laneoff = lax.iota(jnp.int32, 16) * TB
    base = c * HALF

    def chunk_body(k, pacc):
        pltpu.sync_copy(lg_hbm.at[s, pl.ds(base + k * CHUNK, CHUNK)], lg_v)
        pltpu.sync_copy(tg_hbm.at[s, pl.ds(base + k * CHUNK, CHUNK)], tg_v)

        @plsc.parallel_loop(0, CHUNK // 16, unroll=8, carry=pacc)
        def _scatter(g, acc):
            ti = tg_v[pl.ds(g * 16, 16)]
            lg16 = lg_v[pl.ds(g * 16, 16)]
            lf = ti.astype(jnp.float32)
            e = 1.0 - lg16 * (2.0 * lf - 1.0)
            r = jnp.maximum(e, 0.0)
            bits = plsc.bitcast(e, jnp.int32)
            neg = lax.shift_right_arithmetic(bits, 31)
            key = lax.bitwise_xor(bits, lax.bitwise_or(neg, jnp.int32(INT_MIN)))
            bucket = lax.bitwise_and(
                lax.shift_right_arithmetic(key, 32 - NBITS), jnp.int32(B - 1))
            idx = bucket + lax.shift_left(ti, NBITS) + laneoff
            plsc.addupdate_scatter(table, [idx], r)
            return acc + ti

        return _scatter

    pacc = lax.fori_loop(0, NCHUNK, chunk_body, jnp.zeros((16,), jnp.int32))

    @plsc.parallel_loop(0, TB // 16, unroll=4)
    def _reduce(v):
        acc = table[pl.ds(v * 16, 16)]
        for l in range(1, NLANE):
            acc = acc + table[pl.ds(l * TB + v * 16, 16)]
        red_v[pl.ds(v * 16, 16)] = acc

    pltpu.sync_copy(red_v, t_out.at[s, c])
    pcnt_v[...] = pacc.astype(jnp.float32)
    pltpu.sync_copy(pcnt_v, p_out.at[s, c])


_hist = pl.kernel(_hist_body, **_HIST_KERNEL_ARGS)


def _decode_boundary(k):
    bits = jnp.where(k < 0,
                     lax.bitwise_xor(k, jnp.int32(INT_MIN)),
                     lax.bitwise_not(k))
    e = lax.bitcast_convert_type(bits, jnp.float32)
    big = jnp.float32(3.4e38)
    e = jnp.where(e != e, jnp.where(k < 0, big, -big), e)
    return jnp.clip(e, -big, big)


def _post_body(t_ref, p_ref, o_ref):
    T = t_ref[:, 0, :] + t_ref[:, 1, :]
    P = jnp.sum(p_ref[...], axis=(1, 2)).reshape(16, 1)
    Sn = T[:, :B]
    Sp = T[:, B:]

    b = lax.broadcasted_iota(jnp.int32, (1, B), 1)
    klo = lax.shift_left(b, jnp.int32(32 - NBITS))
    khi = lax.shift_left(b + 1, jnp.int32(32 - NBITS))
    elo = _decode_boundary(klo)
    ehi = jnp.where(b == B - 1, jnp.float32(3.4e38), _decode_boundary(khi))
    m = jnp.maximum(elo * 0.5 + ehi * 0.5, 0.0)
    inv_m = 1.0 / jnp.maximum(m, jnp.float32(1e-30))

    Cn = Sn * inv_m
    Cp = Sp * inv_m

    nrow = B // 128
    r128 = lax.broadcasted_iota(jnp.int32, (128, 128), 0)
    c128 = lax.broadcasted_iota(jnp.int32, (128, 128), 1)
    U128 = (r128 <= c128).astype(jnp.float32)
    rr = lax.broadcasted_iota(jnp.int32, (nrow, nrow), 0)
    cc = lax.broadcasted_iota(jnp.int32, (nrow, nrow), 1)
    SU = (rr < cc).astype(jnp.float32)

    def cumsum_incl(X):
        X3 = X.reshape(16 * nrow, 128)
        within = jax.lax.dot_general(
            X3, U128, (((1,), (0,)), ((), ())),
            preferred_element_type=jnp.float32).reshape(16, nrow, 128)
        rowsums = within[:, :, 127]
        offs = jax.lax.dot_general(
            rowsums, SU, (((1,), (0,)), ((), ())),
            preferred_element_type=jnp.float32)
        return (within + offs[:, :, None]).reshape(16, B)

    tot_n = jnp.sum(Cn, axis=1, keepdims=True)
    tot_p = jnp.sum(Cp, axis=1, keepdims=True)
    n_above = tot_n - cumsum_incl(Cn)
    p_above = tot_p - cumsum_incl(Cp)

    D = P + n_above
    t = Sp / D + Sn * (P - p_above - Cp) / (D * (D + Cn))
    o_ref[...] = (jnp.sum(t) / NIMG).reshape(1, 1)


def _post(T, P):
    return pl.pallas_call(
        _post_body,
        out_shape=jax.ShapeDtypeStruct((1, 1), jnp.float32),
    )(T, P)


def kernel(logits, targets):
    T, Pp = _hist(logits.reshape(NIMG, N), targets.reshape(NIMG, N))
    return _post(T, Pp).reshape(())

# --- scband reference (transcript-rebuilt; emitter-appended) ---
"""Pipeline reference for scband-lovasz-loss-2748779069797 (READ-ONLY COPY).

The authoritative reference and input builder live on the scoring server;
editing this copy changes nothing except your own understanding.
"""

import jax, jax.numpy as jnp
import numpy as np


def lovasz_grad(gt_sorted):
    gts = jnp.sum(gt_sorted)
    intersection = gts - jnp.cumsum(gt_sorted)
    union = gts + jnp.cumsum(1.0 - gt_sorted)
    jaccard = 1.0 - intersection / union
    jaccard = jnp.concatenate([jaccard[:1], jaccard[1:] - jaccard[:-1]])
    return jaccard


def lovasz_hinge_flat(logits, labels):
    labels_f = labels.astype(jnp.float32)
    signs = 2.0 * labels_f - 1.0
    errors = 1.0 - logits * signs
    order = jnp.argsort(-errors)  # descending sort of errors
    errors_sorted = errors[order]
    gt_sorted = labels_f[order]
    grad = lovasz_grad(gt_sorted)
    return jnp.dot(jax.nn.relu(errors_sorted), grad)


def setup_inputs(seed: int = 0) -> dict:
    key = jax.random.key(seed)
    k1, k2 = jax.random.split(key)
    logits = jax.random.normal(k1, (16, 512, 512), dtype=jnp.float32)
    targets = jax.random.randint(k2, (16, 512, 512), 0, 2, dtype=jnp.int32)
    return {"logits": logits, "targets": targets}


def reference(logits, targets):
    B = logits.shape[0]
    lf = logits.reshape(B, -1)
    tf = targets.reshape(B, -1)
    losses = jax.vmap(lovasz_hinge_flat)(lf, tf)
    return jnp.mean(losses)

if __name__ == "__main__":
    import jax
    _d = setup_inputs()
    print(jax.jit(kernel)(*tuple(_d.values())))

</pallas_src>

<mosaic_0001>
#map = affine_map<(d0, d1) -> (0, 0)>
#map1 = affine_map<(d0, d1) -> (0, 0, 0)>
module attributes {stable_mosaic.version = 14 : i64} {
  func.func @_hist_body(%arg0: i32, %arg1: i32, %arg2: memref<16x262144xf32, #tpu.memory_space<hbm>>, %arg3: memref<16x262144xi32, #tpu.memory_space<hbm>>, %arg4: memref<16x2x4096xf32, #tpu.memory_space<hbm>>, %arg5: memref<16x2x16xf32, #tpu.memory_space<hbm>>, %arg6: memref<16384xf32, #tpu.memory_space<vmem>>, %arg7: memref<16384xi32, #tpu.memory_space<vmem>>, %arg8: memref<65536xf32, #tpu.memory_space<vmem>>, %arg9: memref<4096xf32, #tpu.memory_space<vmem>>, %arg10: memref<16xf32, #tpu.memory_space<vmem>>) attributes {dimension_semantics = [#tpu.dimension_semantics<core_parallel>, #tpu.dimension_semantics<subcore_parallel>], iteration_bounds = array<i64: 2, 16>, scalar_prefetch = 0 : i64, scratch_operands = 5 : i64, tpu.core_type = #tpu.core_type<sc_vector_subcore>, window_params = [{transform_indices = #map}, {transform_indices = #map}, {transform_indices = #map1}, {transform_indices = #map1}]} {
    %parallel_loop3A = arith.constant 0 : i32
    %parallel_loop3A_0 = arith.constant 4096 : i32
    %parallel_loop3A_1 = arith.constant 1 : i32
    scf.for %parallel_loop3A_16 = %parallel_loop3A to %parallel_loop3A_0 step %parallel_loop3A_1  : i32 {
      %parallel_loop3A_17 = arith.constant 0.000000e+00 : f32
      %parallel_loop3A_18 = vector.broadcast %parallel_loop3A_17 : f32 to vector<16xf32>
      %parallel_loop3A_19 = arith.constant 16 : i32
      %parallel_loop3A_20 = arith.muli %parallel_loop3A_16, %parallel_loop3A_19 : i32
      %parallel_loop3A_21 = arith.index_cast %parallel_loop3A_20 : i32 to index
      %parallel_loop3A_22 = tpu.vector_load %arg8[%parallel_loop3A_21] {strides = array<i32>} : memref<65536xf32, #tpu.memory_space<vmem>>, vector<16xf32>,
      tpu.vector_store %arg8[%parallel_loop3A_21], %parallel_loop3A_18 {strides = array<i32>} : memref<65536xf32, #tpu.memory_space<vmem>>, vector<16xf32>,
    } {sc.loop_unroll_factor = 8 : i64, sc.parallel_access}
    %iota3A = tpu.iota {dimensions = array<i32: 0>} : vector<16xi32>
    %mul3A = arith.constant 4096 : i32
    %mul3A_2 = vector.broadcast %mul3A : i32 to vector<16xi32>
    %mul3A_3 = arith.muli %iota3A, %mul3A_2 : vector<16xi32>
    %mul3A_4 = arith.constant 131072 : i32
    %mul3A_5 = arith.muli %arg0, %mul3A_4 : i32
    %broadcast_in_dim3A = arith.constant 0 : i32
    %broadcast_in_dim3A_6 = vector.broadcast %broadcast_in_dim3A : i32 to vector<16xi32>
    %scan3A = arith.constant 0 : i32
    %scan3A_7 = arith.constant 8 : i32
    %scan3A_8 = arith.addi %scan3A, %scan3A_7 : i32
    %scan3A_9 = arith.constant 1 : i32
    %scan3A_10 = scf.for %scan3A_16 = %scan3A to %scan3A_8 step %scan3A_9 iter_args(%scan3A_17 = %broadcast_in_dim3A_6) -> (vector<16xi32>)  : i32 {
      %mul3A_18 = arith.constant 16384 : i32
      %mul3A_19 = arith.muli %scan3A_16, %mul3A_18 : i32
      %add3A = arith.addi %mul3A_5, %mul3A_19 : i32
      "tpu.region"() ({
        %run_scoped3A = tpu.sem_alloc : memref<!tpu.dma_semaphore, #tpu.memory_space<semaphore_mem>>
        %dma_start3A = tpu.memref_slice %arg2[%arg1, %add3A] : memref<16x262144xf32, #tpu.memory_space<hbm>> -> memref<1x16384xf32, #tpu.memory_space<hbm>>
        %dma_start3A_27 = tpu.memref_squeeze %dma_start3A : memref<1x16384xf32, #tpu.memory_space<hbm>> -> memref<16384xf32, #tpu.memory_space<hbm>>
        %dma_start3A_28 = tpu.memref_slice %arg2[%arg1, %add3A] : memref<16x262144xf32, #tpu.memory_space<hbm>> -> memref<1x16384xf32, #tpu.memory_space<hbm>>
        %dma_start3A_29 = tpu.memref_squeeze %dma_start3A_28 : memref<1x16384xf32, #tpu.memory_space<hbm>> -> memref<16384xf32, #tpu.memory_space<hbm>>
        tpu.enqueue_dma source(%dma_start3A_29 : memref<16384xf32, #tpu.memory_space<hbm>>) target(%arg6 : memref<16384xf32, #tpu.memory_space<vmem>>) target_semaphore(%run_scoped3A : memref<!tpu.dma_semaphore, #tpu.memory_space<semaphore_mem>>)
        %dma_wait3A = tpu.memref_slice %arg2[%arg1, %add3A] : memref<16x262144xf32, #tpu.memory_space<hbm>> -> memref<1x16384xf32, #tpu.memory_space<hbm>>
        %dma_wait3A_30 = tpu.memref_squeeze %dma_wait3A : memref<1x16384xf32, #tpu.memory_space<hbm>> -> memref<16384xf32, #tpu.memory_space<hbm>>
        %dma_wait3A_31 = tpu.memref_slice %arg2[%arg1, %add3A] : memref<16x262144xf32, #tpu.memory_space<hbm>> -> memref<1x16384xf32, #tpu.memory_space<hbm>>
        %dma_wait3A_32 = tpu.memref_squeeze %dma_wait3A_31 : memref<1x16384xf32, #tpu.memory_space<hbm>> -> memref<16384xf32, #tpu.memory_space<hbm>>
        tpu.wait_dma2 semaphore(%run_scoped3A : memref<!tpu.dma_semaphore, #tpu.memory_space<semaphore_mem>>) src(%dma_wait3A_32 : memref<16384xf32, #tpu.memory_space<hbm>>) dst(%arg6 : memref<16384xf32, #tpu.memory_space<vmem>>)
        tpu.yield
      }) : () -> ()
      %mul3A_20 = arith.constant 16384 : i32
      %mul3A_21 = arith.muli %scan3A_16, %mul3A_20 : i32
      %add3A_22 = arith.addi %mul3A_5, %mul3A_21 : i32
      "tpu.region"() ({
        %run_scoped3A = tpu.sem_alloc : memref<!tpu.dma_semaphore, #tpu.memory_space<semaphore_mem>>
        %dma_start3A = tpu.memref_slice %arg3[%arg1, %add3A_22] : memref<16x262144xi32, #tpu.memory_space<hbm>> -> memref<1x16384xi32, #tpu.memory_space<hbm>>
        %dma_start3A_27 = tpu.memref_squeeze %dma_start3A : memref<1x16384xi32, #tpu.memory_space<hbm>> -> memref<16384xi32, #tpu.memory_space<hbm>>
        %dma_start3A_28 = tpu.memref_slice %arg3[%arg1, %add3A_22] : memref<16x262144xi32, #tpu.memory_space<hbm>> -> memref<1x16384xi32, #tpu.memory_space<hbm>>
        %dma_start3A_29 = tpu.memref_squeeze %dma_start3A_28 : memref<1x16384xi32, #tpu.memory_space<hbm>> -> memref<16384xi32, #tpu.memory_space<hbm>>
        tpu.enqueue_dma source(%dma_start3A_29 : memref<16384xi32, #tpu.memory_space<hbm>>) target(%arg7 : memref<16384xi32, #tpu.memory_space<vmem>>) target_semaphore(%run_scoped3A : memref<!tpu.dma_semaphore, #tpu.memory_space<semaphore_mem>>)
        %dma_wait3A = tpu.memref_slice %arg3[%arg1, %add3A_22] : memref<16x262144xi32, #tpu.memory_space<hbm>> -> memref<1x16384xi32, #tpu.memory_space<hbm>>
        %dma_wait3A_30 = tpu.memref_squeeze %dma_wait3A : memref<1x16384xi32, #tpu.memory_space<hbm>> -> memref<16384xi32, #tpu.memory_space<hbm>>
        %dma_wait3A_31 = tpu.memref_slice %arg3[%arg1, %add3A_22] : memref<16x262144xi32, #tpu.memory_space<hbm>> -> memref<1x16384xi32, #tpu.memory_space<hbm>>
        %dma_wait3A_32 = tpu.memref_squeeze %dma_wait3A_31 : memref<1x16384xi32, #tpu.memory_space<hbm>> -> memref<16384xi32, #tpu.memory_space<hbm>>
        tpu.wait_dma2 semaphore(%run_scoped3A : memref<!tpu.dma_semaphore, #tpu.memory_space<semaphore_mem>>) src(%dma_wait3A_32 : memref<16384xi32, #tpu.memory_space<hbm>>) dst(%arg7 : memref<16384xi32, #tpu.memory_space<vmem>>)
        tpu.yield
      }) : () -> ()
      %parallel_loop3A_23 = arith.constant 0 : i32
      %parallel_loop3A_24 = arith.constant 1024 : i32
      %parallel_loop3A_25 = arith.constant 1 : i32
      %parallel_loop3A_26 = scf.for %parallel_loop3A_27 = %parallel_loop3A_23 to %parallel_loop3A_24 step %parallel_loop3A_25 iter_args(%parallel_loop3A_28 = %scan3A_17) -> (vector<16xi32>)  : i32 {
        %parallel_loop3A_29 = arith.constant 16 : i32
        %parallel_loop3A_30 = arith.muli %parallel_loop3A_27, %parallel_loop3A_29 : i32
        %parallel_loop3A_31 = arith.index_cast %parallel_loop3A_30 : i32 to index
        %parallel_loop3A_32 = tpu.vector_load %arg7[%parallel_loop3A_31] {strides = array<i32>} : memref<16384xi32, #tpu.memory_space<vmem>>, vector<16xi32>,
        %parallel_loop3A_33 = arith.constant 16 : i32
        %parallel_loop3A_34 = arith.muli %parallel_loop3A_27, %parallel_loop3A_33 : i32
        %parallel_loop3A_35 = arith.index_cast %parallel_loop3A_34 : i32 to index
        %parallel_loop3A_36 = tpu.vector_load %arg6[%parallel_loop3A_35] {strides = array<i32>} : memref<16384xf32, #tpu.memory_space<vmem>>, vector<16xf32>,
        %parallel_loop3A_37 = arith.sitofp %parallel_loop3A_32 : vector<16xi32> to vector<16xf32>
        %parallel_loop3A_38 = arith.constant 2.000000e+00 : f32
        %parallel_loop3A_39 = vector.broadcast %parallel_loop3A_38 : f32 to vector<16xf32>
        %parallel_loop3A_40 = arith.mulf %parallel_loop3A_39, %parallel_loop3A_37 : vector<16xf32>
        %parallel_loop3A_41 = arith.constant 1.000000e+00 : f32
        %parallel_loop3A_42 = vector.broadcast %parallel_loop3A_41 : f32 to vector<16xf32>
        %parallel_loop3A_43 = arith.subf %parallel_loop3A_40, %parallel_loop3A_42 : vector<16xf32>
        %parallel_loop3A_44 = arith.mulf %parallel_loop3A_36, %parallel_loop3A_43 : vector<16xf32>
        %parallel_loop3A_45 = arith.constant 1.000000e+00 : f32
        %parallel_loop3A_46 = vector.broadcast %parallel_loop3A_45 : f32 to vector<16xf32>
        %parallel_loop3A_47 = arith.subf %parallel_loop3A_46, %parallel_loop3A_44 : vector<16xf32>
        %parallel_loop3A_48 = arith.constant 0.000000e+00 : f32
        %parallel_loop3A_49 = vector.broadcast %parallel_loop3A_48 : f32 to vector<16xf32>
        %parallel_loop3A_50 = arith.maximumf %parallel_loop3A_47, %parallel_loop3A_49 : vector<16xf32>
        %parallel_loop3A_51 = vector.bitcast %parallel_loop3A_47 : vector<16xf32> to vector<16xi32>
        %parallel_loop3A_52 = arith.constant 31 : i32
        %parallel_loop3A_53 = vector.broadcast %parallel_loop3A_52 : i32 to vector<16xi32>
        %parallel_loop3A_54 = arith.shrsi %parallel_loop3A_51, %parallel_loop3A_53 : vector<16xi32>
        %parallel_loop3A_55 = arith.constant -2147483648 : i32
        %parallel_loop3A_56 = vector.broadcast %parallel_loop3A_55 : i32 to vector<16xi32>
        %parallel_loop3A_57 = arith.ori %parallel_loop3A_54, %parallel_loop3A_56 : vector<16xi32>
        %parallel_loop3A_58 = arith.xori %parallel_loop3A_51, %parallel_loop3A_57 : vector<16xi32>
        %parallel_loop3A_59 = arith.constant 21 : i32
        %parallel_loop3A_60 = vector.broadcast %parallel_loop3A_59 : i32 to vector<16xi32>
        %parallel_loop3A_61 = arith.shrsi %parallel_loop3A_58, %parallel_loop3A_60 : vector<16xi32>
        %parallel_loop3A_62 = arith.constant 2047 : i32
        %parallel_loop3A_63 = vector.broadcast %parallel_loop3A_62 : i32 to vector<16xi32>
        %parallel_loop3A_64 = arith.andi %parallel_loop3A_61, %parallel_loop3A_63 : vector<16xi32>
        %parallel_loop3A_65 = arith.constant 11 : i32
        %parallel_loop3A_66 = vector.broadcast %parallel_loop3A_65 : i32 to vector<16xi32>
        %parallel_loop3A_67 = arith.shli %parallel_loop3A_32, %parallel_loop3A_66 : vector<16xi32>
        %parallel_loop3A_68 = arith.addi %parallel_loop3A_64, %parallel_loop3A_67 : vector<16xi32>
        %parallel_loop3A_69 = arith.addi %parallel_loop3A_68, %mul3A_3 : vector<16xi32>
        tpu.vector_store_idx %arg8[%parallel_loop3A_69], %parallel_loop3A_50 {add = true} : memref<65536xf32, #tpu.memory_space<vmem>>[vector<16xi32>], vector<16xf32>,
        %parallel_loop3A_70 = arith.addi %parallel_loop3A_28, %parallel_loop3A_32 : vector<16xi32>
        scf.yield %parallel_loop3A_70 : vector<16xi32>
      } {sc.loop_unroll_factor = 8 : i64, sc.parallel_access}
      scf.yield %parallel_loop3A_26 : vector<16xi32>
    }
    %scan3A_11 = arith.constant 8 : i32
    %parallel_loop3A_12 = arith.constant 0 : i32
    %parallel_loop3A_13 = arith.constant 256 : i32
    %parallel_loop3A_14 = arith.constant 1 : i32
    scf.for %parallel_loop3A_16 = %parallel_loop3A_12 to %parallel_loop3A_13 step %parallel_loop3A_14  : i32 {
      %parallel_loop3A_17 = arith.constant 16 : i32
      %parallel_loop3A_18 = arith.muli %parallel_loop3A_16, %parallel_loop3A_17 : i32
      %parallel_loop3A_19 = arith.index_cast %parallel_loop3A_18 : i32 to index
      %parallel_loop3A_20 = tpu.vector_load %arg8[%parallel_loop3A_19] {strides = array<i32>} : memref<65536xf32, #tpu.memory_space<vmem>>, vector<16xf32>,
      %parallel_loop3A_21 = arith.constant 16 : i32
      %parallel_loop3A_22 = arith.muli %parallel_loop3A_16, %parallel_loop3A_21 : i32
      %parallel_loop3A_23 = arith.constant 4096 : i32
      %parallel_loop3A_24 = arith.addi %parallel_loop3A_23, %parallel_loop3A_22 : i32
      %parallel_loop3A_25 = arith.index_cast %parallel_loop3A_24 : i32 to index
      %parallel_loop3A_26 = tpu.vector_load %arg8[%parallel_loop3A_25] {strides = array<i32>} : memref<65536xf32, #tpu.memory_space<vmem>>, vector<16xf32>,
      %parallel_loop3A_27 = arith.addf %parallel_loop3A_20, %parallel_loop3A_26 : vector<16xf32>
      %parallel_loop3A_28 = arith.constant 16 : i32
      %parallel_loop3A_29 = arith.muli %parallel_loop3A_16, %parallel_loop3A_28 : i32
      %parallel_loop3A_30 = arith.constant 8192 : i32
      %parallel_loop3A_31 = arith.addi %parallel_loop3A_30, %parallel_loop3A_29 : i32
      %parallel_loop3A_32 = arith.index_cast %parallel_loop3A_31 : i32 to index
      %parallel_loop3A_33 = tpu.vector_load %arg8[%parallel_loop3A_32] {strides = array<i32>} : memref<65536xf32, #tpu.memory_space<vmem>>, vector<16xf32>,
      %parallel_loop3A_34 = arith.addf %parallel_loop3A_27, %parallel_loop3A_33 : vector<16xf32>
      %parallel_loop3A_35 = arith.constant 16 : i32
      %parallel_loop3A_36 = arith.muli %parallel_loop3A_16, %parallel_loop3A_35 : i32
      %parallel_loop3A_37 = arith.constant 12288 : i32
      %parallel_loop3A_38 = arith.addi %parallel_loop3A_37, %parallel_loop3A_36 : i32
      %parallel_loop3A_39 = arith.index_cast %parallel_loop3A_38 : i32 to index
      %parallel_loop3A_40 = tpu.vector_load %arg8[%parallel_loop3A_39] {strides = array<i32>} : memref<65536xf32, #tpu.memory_space<vmem>>, vector<16xf32>,
      %parallel_loop3A_41 = arith.addf %parallel_loop3A_34, %parallel_loop3A_40 : vector<16xf32>
      %parallel_loop3A_42 = arith.constant 16 : i32
      %parallel_loop3A_43 = arith.muli %parallel_loop3A_16, %parallel_loop3A_42 : i32
      %parallel_loop3A_44 = arith.constant 16384 : i32
      %parallel_loop3A_45 = arith.addi %parallel_loop3A_44, %parallel_loop3A_43 : i32
      %parallel_loop3A_46 = arith.index_cast %parallel_loop3A_45 : i32 to index
      %parallel_loop3A_47 = tpu.vector_load %arg8[%parallel_loop3A_46] {strides = array<i32>} : memref<65536xf32, #tpu.memory_space<vmem>>, vector<16xf32>,
      %parallel_loop3A_48 = arith.addf %parallel_loop3A_41, %parallel_loop3A_47 : vector<16xf32>
      %parallel_loop3A_49 = arith.constant 16 : i32
      %parallel_loop3A_50 = arith.muli %parallel_loop3A_16, %parallel_loop3A_49 : i32
      %parallel_loop3A_51 = arith.constant 20480 : i32
      %parallel_loop3A_52 = arith.addi %parallel_loop3A_51, %parallel_loop3A_50 : i32
      %parallel_loop3A_53 = arith.index_cast %parallel_loop3A_52 : i32 to index
      %parallel_loop3A_54 = tpu.vector_load %arg8[%parallel_loop3A_53] {strides = array<i32>} : memref<65536xf32, #tpu.memory_space<vmem>>, vector<16xf32>,
      %parallel_loop3A_55 = arith.addf %parallel_loop3A_48, %parallel_loop3A_54 : vector<16xf32>
      %parallel_loop3A_56 = arith.constant 16 : i32
      %parallel_loop3A_57 = arith.muli %parallel_loop3A_16, %parallel_loop3A_56 : i32
      %parallel_loop3A_58 = arith.constant 24576 : i32
      %parallel_loop3A_59 = arith.addi %parallel_loop3A_58, %parallel_loop3A_57 : i32
      %parallel_loop3A_60 = arith.index_cast %parallel_loop3A_59 : i32 to index
      %parallel_loop3A_61 = tpu.vector_load %arg8[%parallel_loop3A_60] {strides = array<i32>} : memref<65536xf32, #tpu.memory_space<vmem>>, vector<16xf32>,
      %parallel_loop3A_62 = arith.addf %parallel_loop3A_55, %parallel_loop3A_61 : vector<16xf32>
      %parallel_loop3A_63 = arith.constant 16 : i32
      %parallel_loop3A_64 = arith.muli %parallel_loop3A_16, %parallel_loop3A_63 : i32
      %parallel_loop3A_65 = arith.constant 28672 : i32
      %parallel_loop3A_66 = arith.addi %parallel_loop3A_65, %parallel_loop3A_64 : i32
      %parallel_loop3A_67 = arith.index_cast %parallel_loop3A_66 : i32 to index
      %parallel_loop3A_68 = tpu.vector_load %arg8[%parallel_loop3A_67] {strides = array<i32>} : memref<65536xf32, #tpu.memory_space<vmem>>, vector<16xf32>,
      %parallel_loop3A_69 = arith.addf %parallel_loop3A_62, %parallel_loop3A_68 : vector<16xf32>
      %parallel_loop3A_70 = arith.constant 16 : i32
      %parallel_loop3A_71 = arith.muli %parallel_loop3A_16, %parallel_loop3A_70 : i32
      %parallel_loop3A_72 = arith.constant 32768 : i32
      %parallel_loop3A_73 = arith.addi %parallel_loop3A_72, %parallel_loop3A_71 : i32
      %parallel_loop3A_74 = arith.index_cast %parallel_loop3A_73 : i32 to index
      %parallel_loop3A_75 = tpu.vector_load %arg8[%parallel_loop3A_74] {strides = array<i32>} : memref<65536xf32, #tpu.memory_space<vmem>>, vector<16xf32>,
      %parallel_loop3A_76 = arith.addf %parallel_loop3A_69, %parallel_loop3A_75 : vector<16xf32>
      %parallel_loop3A_77 = arith.constant 16 : i32
      %parallel_loop3A_78 = arith.muli %parallel_loop3A_16, %parallel_loop3A_77 : i32
      %parallel_loop3A_79 = arith.constant 36864 : i32
      %parallel_loop3A_80 = arith.addi %parallel_loop3A_79, %parallel_loop3A_78 : i32
      %parallel_loop3A_81 = arith.index_cast %parallel_loop3A_80 : i32 to index
      %parallel_loop3A_82 = tpu.vector_load %arg8[%parallel_loop3A_81] {strides = array<i32>} : memref<65536xf32, #tpu.memory_space<vmem>>, vector<16xf32>,
      %parallel_loop3A_83 = arith.addf %parallel_loop3A_76, %parallel_loop3A_82 : vector<16xf32>
      %parallel_loop3A_84 = arith.constant 16 : i32
      %parallel_loop3A_85 = arith.muli %parallel_loop3A_16, %parallel_loop3A_84 : i32
      %parallel_loop3A_86 = arith.constant 40960 : i32
      %parallel_loop3A_87 = arith.addi %parallel_loop3A_86, %parallel_loop3A_85 : i32
      %parallel_loop3A_88 = arith.index_cast %parallel_loop3A_87 : i32 to index
      %parallel_loop3A_89 = tpu.vector_load %arg8[%parallel_loop3A_88] {strides = array<i32>} : memref<65536xf32, #tpu.memory_space<vmem>>, vector<16xf32>,
      %parallel_loop3A_90 = arith.addf %parallel_loop3A_83, %parallel_loop3A_89 : vector<16xf32>
      %parallel_loop3A_91 = arith.constant 16 : i32
      %parallel_loop3A_92 = arith.muli %parallel_loop3A_16, %parallel_loop3A_91 : i32
      %parallel_loop3A_93 = arith.constant 45056 : i32
      %parallel_loop3A_94 = arith.addi %parallel_loop3A_93, %parallel_loop3A_92 : i32
      %parallel_loop3A_95 = arith.index_cast %parallel_loop3A_94 : i32 to index
      %parallel_loop3A_96 = tpu.vector_load %arg8[%parallel_loop3A_95] {strides = array<i32>} : memref<65536xf32, #tpu.memory_space<vmem>>, vector<16xf32>,
      %parallel_loop3A_97 = arith.addf %parallel_loop3A_90, %parallel_loop3A_96 : vector<16xf32>
      %parallel_loop3A_98 = arith.constant 16 : i32
      %parallel_loop3A_99 = arith.muli %parallel_loop3A_16, %parallel_loop3A_98 : i32
      %parallel_loop3A_100 = arith.constant 49152 : i32
      %parallel_loop3A_101 = arith.addi %parallel_loop3A_100, %parallel_loop3A_99 : i32
      %parallel_loop3A_102 = arith.index_cast %parallel_loop3A_101 : i32 to index
      %parallel_loop3A_103 = tpu.vector_load %arg8[%parallel_loop3A_102] {strides = array<i32>} : memref<65536xf32, #tpu.memory_space<vmem>>, vector<16xf32>,
      %parallel_loop3A_104 = arith.addf %parallel_loop3A_97, %parallel_loop3A_103 : vector<16xf32>
      %parallel_loop3A_105 = arith.constant 16 : i32
      %parallel_loop3A_106 = arith.muli %parallel_loop3A_16, %parallel_loop3A_105 : i32
      %parallel_loop3A_107 = arith.constant 53248 : i32
      %parallel_loop3A_108 = arith.addi %parallel_loop3A_107, %parallel_loop3A_106 : i32
      %parallel_loop3A_109 = arith.index_cast %parallel_loop3A_108 : i32 to index
      %parallel_loop3A_110 = tpu.vector_load %arg8[%parallel_loop3A_109] {strides = array<i32>} : memref<65536xf32, #tpu.memory_space<vmem>>, vector<16xf32>,
      %parallel_loop3A_111 = arith.addf %parallel_loop3A_104, %parallel_loop3A_110 : vector<16xf32>
      %parallel_loop3A_112 = arith.constant 16 : i32
      %parallel_loop3A_113 = arith.muli %parallel_loop3A_16, %parallel_loop3A_112 : i32
      %parallel_loop3A_114 = arith.constant 57344 : i32
      %parallel_loop3A_115 = arith.addi %parallel_loop3A_114, %parallel_loop3A_113 : i32
      %parallel_loop3A_116 = arith.index_cast %parallel_loop3A_115 : i32 to index
      %parallel_loop3A_117 = tpu.vector_load %arg8[%parallel_loop3A_116] {strides = array<i32>} : memref<65536xf32, #tpu.memory_space<vmem>>, vector<16xf32>,
      %parallel_loop3A_118 = arith.addf %parallel_loop3A_111, %parallel_loop3A_117 : vector<16xf32>
      %parallel_loop3A_119 = arith.constant 16 : i32
      %parallel_loop3A_120 = arith.muli %parallel_loop3A_16, %parallel_loop3A_119 : i32
      %parallel_loop3A_121 = arith.constant 61440 : i32
      %parallel_loop3A_122 = arith.addi %parallel_loop3A_121, %parallel_loop3A_120 : i32
      %parallel_loop3A_123 = arith.index_cast %parallel_loop3A_122 : i32 to index
      %parallel_loop3A_124 = tpu.vector_load %arg8[%parallel_loop3A_123] {strides = array<i32>} : memref<65536xf32, #tpu.memory_space<vmem>>, vector<16xf32>,
      %parallel_loop3A_125 = arith.addf %parallel_loop3A_118, %parallel_loop3A_124 : vector<16xf32>
      %parallel_loop3A_126 = arith.constant 16 : i32
      %parallel_loop3A_127 = arith.muli %parallel_loop3A_16, %parallel_loop3A_126 : i32
      %parallel_loop3A_128 = arith.index_cast %parallel_loop3A_127 : i32 to index
      %parallel_loop3A_129 = tpu.vector_load %arg9[%parallel_loop3A_128] {strides = array<i32>} : memref<4096xf32, #tpu.memory_space<vmem>>, vector<16xf32>,
      tpu.vector_store %arg9[%parallel_loop3A_128], %parallel_loop3A_125 {strides = array<i32>} : memref<4096xf32, #tpu.memory_space<vmem>>, vector<16xf32>,
    } {sc.loop_unroll_factor = 4 : i64, sc.parallel_access}
    "tpu.region"() ({
      %run_scoped3A = tpu.sem_alloc : memref<!tpu.dma_semaphore, #tpu.memory_space<semaphore_mem>>
      %dma_start3A = arith.constant 0 : i32
      %dma_start3A_16 = tpu.memref_slice %arg4[%arg1, %arg0, %dma_start3A] : memref<16x2x4096xf32, #tpu.memory_space<hbm>> -> memref<1x1x4096xf32, #tpu.memory_space<hbm>>
      %dma_start3A_17 = tpu.memref_squeeze %dma_start3A_16 : memref<1x1x4096xf32, #tpu.memory_space<hbm>> -> memref<4096xf32, #tpu.memory_space<hbm>>
      %dma_start3A_18 = arith.constant 0 : i32
      %dma_start3A_19 = tpu.memref_slice %arg4[%arg1, %arg0, %dma_start3A_18] : memref<16x2x4096xf32, #tpu.memory_space<hbm>> -> memref<1x1x4096xf32, #tpu.memory_space<hbm>>
      %dma_start3A_20 = tpu.memref_squeeze %dma_start3A_19 : memref<1x1x4096xf32, #tpu.memory_space<hbm>> -> memref<4096xf32, #tpu.memory_space<hbm>>
      tpu.enqueue_dma source(%arg9 : memref<4096xf32, #tpu.memory_space<vmem>>) target(%dma_start3A_20 : memref<4096xf32, #tpu.memory_space<hbm>>) target_semaphore(%run_scoped3A : memref<!tpu.dma_semaphore, #tpu.memory_space<semaphore_mem>>)
      %dma_wait3A = arith.constant 0 : i32
      %dma_wait3A_21 = tpu.memref_slice %arg4[%arg1, %arg0, %dma_wait3A] : memref<16x2x4096xf32, #tpu.memory_space<hbm>> -> memref<1x1x4096xf32, #tpu.memory_space<hbm>>
      %dma_wait3A_22 = tpu.memref_squeeze %dma_wait3A_21 : memref<1x1x4096xf32, #tpu.memory_space<hbm>> -> memref<4096xf32, #tpu.memory_space<hbm>>
      %dma_wait3A_23 = arith.constant 0 : i32
      %dma_wait3A_24 = tpu.memref_slice %arg4[%arg1, %arg0, %dma_wait3A_23] : memref<16x2x4096xf32, #tpu.memory_space<hbm>> -> memref<1x1x4096xf32, #tpu.memory_space<hbm>>
      %dma_wait3A_25 = tpu.memref_squeeze %dma_wait3A_24 : memref<1x1x4096xf32, #tpu.memory_space<hbm>> -> memref<4096xf32, #tpu.memory_space<hbm>>
      tpu.wait_dma2 semaphore(%run_scoped3A : memref<!tpu.dma_semaphore, #tpu.memory_space<semaphore_mem>>) src(%arg9 : memref<4096xf32, #tpu.memory_space<vmem>>) dst(%dma_wait3A_25 : memref<4096xf32, #tpu.memory_space<hbm>>)
      tpu.yield
    }) : () -> ()
    %convert_element_type3A = arith.sitofp %scan3A_10 : vector<16xi32> to vector<16xf32>
    %swap3A = arith.constant 0 : index
    %swap3A_15 = tpu.vector_load %arg10[%swap3A] {strides = array<i32>} : memref<16xf32, #tpu.memory_space<vmem>>, vector<16xf32>,
    tpu.vector_store %arg10[%swap3A], %convert_element_type3A {strides = array<i32>} : memref<16xf32, #tpu.memory_space<vmem>>, vector<16xf32>,
    "tpu.region"() ({
      %run_scoped3A = tpu.sem_alloc : memref<!tpu.dma_semaphore, #tpu.memory_space<semaphore_mem>>
      %dma_start3A = arith.constant 0 : i32
      %dma_start3A_16 = tpu.memref_slice %arg5[%arg1, %arg0, %dma_start3A] : memref<16x2x16xf32, #tpu.memory_space<hbm>> -> memref<1x1x16xf32, #tpu.memory_space<hbm>>
      %dma_start3A_17 = tpu.memref_squeeze %dma_start3A_16 : memref<1x1x16xf32, #tpu.memory_space<hbm>> -> memref<16xf32, #tpu.memory_space<hbm>>
      %dma_start3A_18 = arith.constant 0 : i32
      %dma_start3A_19 = tpu.memref_slice %arg5[%arg1, %arg0, %dma_start3A_18] : memref<16x2x16xf32, #tpu.memory_space<hbm>> -> memref<1x1x16xf32, #tpu.memory_space<hbm>>
      %dma_start3A_20 = tpu.memref_squeeze %dma_start3A_19 : memref<1x1x16xf32, #tpu.memory_space<hbm>> -> memref<16xf32, #tpu.memory_space<hbm>>
      tpu.enqueue_dma source(%arg10 : memref<16xf32, #tpu.memory_space<vmem>>) target(%dma_start3A_20 : memref<16xf32, #tpu.memory_space<hbm>>) target_semaphore(%run_scoped3A : memref<!tpu.dma_semaphore, #tpu.memory_space<semaphore_mem>>)
      %dma_wait3A = arith.constant 0 : i32
      %dma_wait3A_21 = tpu.memref_slice %arg5[%arg1, %arg0, %dma_wait3A] : memref<16x2x16xf32, #tpu.memory_space<hbm>> -> memref<1x1x16xf32, #tpu.memory_space<hbm>>
      %dma_wait3A_22 = tpu.memref_squeeze %dma_wait3A_21 : memref<1x1x16xf32, #tpu.memory_space<hbm>> -> memref<16xf32, #tpu.memory_space<hbm>>
      %dma_wait3A_23 = arith.constant 0 : i32
      %dma_wait3A_24 = tpu.memref_slice %arg5[%arg1, %arg0, %dma_wait3A_23] : memref<16x2x16xf32, #tpu.memory_space<hbm>> -> memref<1x1x16xf32, #tpu.memory_space<hbm>>
      %dma_wait3A_25 = tpu.memref_squeeze %dma_wait3A_24 : memref<1x1x16xf32, #tpu.memory_space<hbm>> -> memref<16xf32, #tpu.memory_space<hbm>>
      tpu.wait_dma2 semaphore(%run_scoped3A : memref<!tpu.dma_semaphore, #tpu.memory_space<semaphore_mem>>) src(%arg10 : memref<16xf32, #tpu.memory_space<vmem>>) dst(%dma_wait3A_25 : memref<16xf32, #tpu.memory_space<hbm>>)
      tpu.yield
    }) : () -> ()
    return
  }
}

module attributes {stable_mosaic.version = 14 : i64} {
  func.func @_post_body(%arg0: memref<16x2x4096xf32, #tpu.memory_space<vmem>>, %arg1: memref<16x2x16xf32, #tpu.memory_space<vmem>>, %arg2: memref<1x1xf32, #tpu.memory_space<vmem>>) attributes {dimension_semantics = [], scalar_prefetch = 0 : i64, scratch_operands = 0 : i64, tpu.core_type = #tpu.core_type<tc>} {
    %get3A = arith.constant 0 : index
    %get3A_0 = arith.constant 0 : index
    %get3A_1 = arith.constant 0 : index
    %get3A_2 = vector.load %arg0[%get3A, %get3A_0, %get3A_1] : memref<16x2x4096xf32, #tpu.memory_space<vmem>>, vector<16x1x4096xf32>
    %get3A_3 = vector.shape_cast %get3A_2 : vector<16x1x4096xf32> to vector<16x4096xf32>
    %get3A_4 = arith.constant 0 : index
    %get3A_5 = arith.constant 1 : index
    %get3A_6 = arith.constant 0 : index
    %get3A_7 = vector.load %arg0[%get3A_4, %get3A_5, %get3A_6] : memref<16x2x4096xf32, #tpu.memory_space<vmem>>, vector<16x1x4096xf32>
    %get3A_8 = vector.shape_cast %get3A_7 : vector<16x1x4096xf32> to vector<16x4096xf32>
    %add3A = arith.addf %get3A_3, %get3A_8 : vector<16x4096xf32>
    %get3A_9 = arith.constant 0 : index
    %get3A_10 = arith.constant 0 : index
    %get3A_11 = arith.constant 0 : index
    %get3A_12 = vector.load %arg1[%get3A_9, %get3A_10, %get3A_11] : memref<16x2x16xf32, #tpu.memory_space<vmem>>, vector<16x2x16xf32>
    %reduce_sum3A = arith.constant dense<0.000000e+00> : vector<16xf32>
    %reduce_sum3A_13 = vector.multi_reduction <add>, %get3A_12, %reduce_sum3A [1, 2] : vector<16x2x16xf32> to vector<16xf32>
    %reshape3A = vector.shape_cast %reduce_sum3A_13 : vector<16xf32> to vector<16x1xf32>
    %slice3A = vector.extract_strided_slice %add3A {offsets = [0, 0], sizes = [16, 2048], strides = [1, 1]} : vector<16x4096xf32> to vector<16x2048xf32>
    %slice3A_14 = vector.extract_strided_slice %add3A {offsets = [0, 2048], sizes = [16, 2048], strides = [1, 1]} : vector<16x4096xf32> to vector<16x2048xf32>
    %iota3A = tpu.iota {dimensions = array<i32: 1>} : vector<1x2048xi32>
    %shift_left3A = arith.constant 21 : i32
    %shift_left3A_15 = vector.broadcast %shift_left3A : i32 to vector<1x2048xi32>
    %shift_left3A_16 = arith.shli %iota3A, %shift_left3A_15 : vector<1x2048xi32>
    %add3A_17 = arith.constant 1 : i32
    %add3A_18 = vector.broadcast %add3A_17 : i32 to vector<1x2048xi32>
    %add3A_19 = arith.addi %iota3A, %add3A_18 : vector<1x2048xi32>
    %shift_left3A_20 = arith.constant 21 : i32
    %shift_left3A_21 = vector.broadcast %shift_left3A_20 : i32 to vector<1x2048xi32>
    %shift_left3A_22 = arith.shli %add3A_19, %shift_left3A_21 : vector<1x2048xi32>
    %lt3A = arith.constant 0 : i32
    %lt3A_23 = vector.broadcast %lt3A : i32 to vector<1x2048xi32>
    %lt3A_24 = arith.cmpi slt, %shift_left3A_16, %lt3A_23 : vector<1x2048xi32>
    %xor3A = arith.constant -2147483648 : i32
    %xor3A_25 = vector.broadcast %xor3A : i32 to vector<1x2048xi32>
    %xor3A_26 = arith.xori %shift_left3A_16, %xor3A_25 : vector<1x2048xi32>
    %not3A = arith.constant dense<-1> : vector<1x2048xi32>
    %not3A_27 = arith.xori %shift_left3A_16, %not3A : vector<1x2048xi32>
    %select_n3A = arith.select %lt3A_24, %xor3A_26, %not3A_27 : vector<1x2048xi1>, vector<1x2048xi32>
    %bitcast_convert_type3A = tpu.bitcast %select_n3A : vector<1x2048xi32> -> vector<1x2048xf32>
    %ne3A = arith.cmpf one, %bitcast_convert_type3A, %bitcast_convert_type3A : vector<1x2048xf32>
    %lt3A_28 = arith.constant 0 : i32
    %lt3A_29 = vector.broadcast %lt3A_28 : i32 to vector<1x2048xi32>
    %lt3A_30 = arith.cmpi slt, %shift_left3A_16, %lt3A_29 : vector<1x2048xi32>
    %neg3A = arith.constant 0.000000e+00 : f32
    %neg3A_31 = arith.constant 3.400000e+38 : f32
    %neg3A_32 = arith.subf %neg3A, %neg3A_31 : f32
    %jit3A = arith.constant 3.400000e+38 : f32
    %broadcast_in_dim3A = vector.broadcast %jit3A : f32 to vector<1x2048xf32>
    %broadcast_in_dim3A_33 = vector.broadcast %neg3A_32 : f32 to vector<1x2048xf32>
    %select_n3A_34 = arith.select %lt3A_30, %broadcast_in_dim3A, %broadcast_in_dim3A_33 : vector<1x2048xi1>, vector<1x2048xf32>
    %select_n3A_35 = arith.select %ne3A, %select_n3A_34, %bitcast_convert_type3A : vector<1x2048xi1>, vector<1x2048xf32>
    %neg3A_36 = arith.constant 0.000000e+00 : f32
    %neg3A_37 = arith.constant 3.400000e+38 : f32
    %neg3A_38 = arith.subf %neg3A_36, %neg3A_37 : f32
    %jit3A_39 = arith.constant 3.400000e+38 : f32
    %max3A = vector.broadcast %neg3A_38 : f32 to vector<1x2048xf32>
    %max3A_40 = arith.maximumf %max3A, %select_n3A_35 : vector<1x2048xf32>
    %min3A = vector.broadcast %jit3A_39 : f32 to vector<1x2048xf32>
    %min3A_41 = arith.minimumf %min3A, %max3A_40 : vector<1x2048xf32>
    %eq3A = arith.constant 2047 : i32
    %eq3A_42 = vector.broadcast %eq3A : i32 to vector<1x2048xi32>
    %eq3A_43 = arith.cmpi eq, %iota3A, %eq3A_42 : vector<1x2048xi32>
    %lt3A_44 = arith.constant 0 : i32
    %lt3A_45 = vector.broadcast %lt3A_44 : i32 to vector<1x2048xi32>
    %lt3A_46 = arith.cmpi slt, %shift_left3A_22, %lt3A_45 : vector<1x2048xi32>
    %xor3A_47 = arith.constant -2147483648 : i32
    %xor3A_48 = vector.broadcast %xor3A_47 : i32 to vector<1x2048xi32>
    %xor3A_49 = arith.xori %shift_left3A_22, %xor3A_48 : vector<1x2048xi32>
    %not3A_50 = arith.constant dense<-1> : vector<1x2048xi32>
    %not3A_51 = arith.xori %shift_left3A_22, %not3A_50 : vector<1x2048xi32>
    %select_n3A_52 = arith.select %lt3A_46, %xor3A_49, %not3A_51 : vector<1x2048xi1>, vector<1x2048xi32>
    %bitcast_convert_type3A_53 = tpu.bitcast %select_n3A_52 : vector<1x2048xi32> -> vector<1x2048xf32>
    %ne3A_54 = arith.cmpf one, %bitcast_convert_type3A_53, %bitcast_convert_type3A_53 : vector<1x2048xf32>
    %lt3A_55 = arith.constant 0 : i32
    %lt3A_56 = vector.broadcast %lt3A_55 : i32 to vector<1x2048xi32>
    %lt3A_57 = arith.cmpi slt, %shift_left3A_22, %lt3A_56 : vector<1x2048xi32>
    %neg3A_58 = arith.constant 0.000000e+00 : f32
    %neg3A_59 = arith.constant 3.400000e+38 : f32
    %neg3A_60 = arith.subf %neg3A_58, %neg3A_59 : f32
    %jit3A_61 = arith.constant 3.400000e+38 : f32
    %broadcast_in_dim3A_62 = vector.broadcast %jit3A_61 : f32 to vector<1x2048xf32>
    %broadcast_in_dim3A_63 = vector.broadcast %neg3A_60 : f32 to vector<1x2048xf32>
    %select_n3A_64 = arith.select %lt3A_57, %broadcast_in_dim3A_62, %broadcast_in_dim3A_63 : vector<1x2048xi1>, vector<1x2048xf32>
    %select_n3A_65 = arith.select %ne3A_54, %select_n3A_64, %bitcast_convert_type3A_53 : vector<1x2048xi1>, vector<1x2048xf32>
    %neg3A_66 = arith.constant 0.000000e+00 : f32
    %neg3A_67 = arith.constant 3.400000e+38 : f32
    %neg3A_68 = arith.subf %neg3A_66, %neg3A_67 : f32
    %jit3A_69 = arith.constant 3.400000e+38 : f32
    %max3A_70 = vector.broadcast %neg3A_68 : f32 to vector<1x2048xf32>
    %max3A_71 = arith.maximumf %max3A_70, %select_n3A_65 : vector<1x2048xf32>
    %min3A_72 = vector.broadcast %jit3A_69 : f32 to vector<1x2048xf32>
    %min3A_73 = arith.minimumf %min3A_72, %max3A_71 : vector<1x2048xf32>
    %jit3A_74 = arith.constant 3.400000e+38 : f32
    %broadcast_in_dim3A_75 = vector.broadcast %jit3A_74 : f32 to vector<1x2048xf32>
    %select_n3A_76 = arith.select %eq3A_43, %broadcast_in_dim3A_75, %min3A_73 : vector<1x2048xi1>, vector<1x2048xf32>
    %mul3A = arith.constant 5.000000e-01 : f32
    %mul3A_77 = vector.broadcast %mul3A : f32 to vector<1x2048xf32>
    %mul3A_78 = arith.mulf %min3A_41, %mul3A_77 : vector<1x2048xf32>
    %mul3A_79 = arith.constant 5.000000e-01 : f32
    %mul3A_80 = vector.broadcast %mul3A_79 : f32 to vector<1x2048xf32>
    %mul3A_81 = arith.mulf %select_n3A_76, %mul3A_80 : vector<1x2048xf32>
    %add3A_82 = arith.addf %mul3A_78, %mul3A_81 : vector<1x2048xf32>
    %max3A_83 = arith.constant 0.000000e+00 : f32
    %max3A_84 = vector.broadcast %max3A_83 : f32 to vector<1x2048xf32>
    %max3A_85 = arith.maximumf %add3A_82, %max3A_84 : vector<1x2048xf32>
    %max3A_86 = arith.constant 1.000000e-30 : f32
    %max3A_87 = vector.broadcast %max3A_86 : f32 to vector<1x2048xf32>
    %max3A_88 = arith.maximumf %max3A_85, %max3A_87 : vector<1x2048xf32>
    %div3A = arith.constant 1.000000e+00 : f32
    %div3A_89 = vector.broadcast %div3A : f32 to vector<1x2048xf32>
    %div3A_90 = arith.divf %div3A_89, %max3A_88 : vector<1x2048xf32>
    %mul3A_91 = vector.broadcast %div3A_90 : vector<1x2048xf32> to vector<16x2048xf32>
    %mul3A_92 = arith.mulf %slice3A, %mul3A_91 : vector<16x2048xf32>
    %mul3A_93 = vector.broadcast %div3A_90 : vector<1x2048xf32> to vector<16x2048xf32>
    %mul3A_94 = arith.mulf %slice3A_14, %mul3A_93 : vector<16x2048xf32>
    %iota3A_95 = tpu.iota {dimensions = array<i32: 0>} : vector<128x128xi32>
    %iota3A_96 = tpu.iota {dimensions = array<i32: 1>} : vector<128x128xi32>
    %le3A = arith.cmpi sle, %iota3A_95, %iota3A_96 : vector<128x128xi32>
    %convert_element_type3A = arith.extui %le3A : vector<128x128xi1> to vector<128x128xi32>
    %convert_element_type3A_97 = arith.sitofp %convert_element_type3A : vector<128x128xi32> to vector<128x128xf32>
    %iota3A_98 = tpu.iota {dimensions = array<i32: 0>} : vector<16x16xi32>
    %iota3A_99 = tpu.iota {dimensions = array<i32: 1>} : vector<16x16xi32>
    %lt3A_100 = arith.cmpi slt, %iota3A_98, %iota3A_99 : vector<16x16xi32>
    %convert_element_type3A_101 = arith.extui %lt3A_100 : vector<16x16xi1> to vector<16x16xi32>
    %convert_element_type3A_102 = arith.sitofp %convert_element_type3A_101 : vector<16x16xi32> to vector<16x16xf32>
    %reduce_sum3A_103 = arith.constant dense<0.000000e+00> : vector<16xf32>
    %reduce_sum3A_104 = vector.multi_reduction <add>, %mul3A_92, %reduce_sum3A_103 [1] : vector<16x2048xf32> to vector<16xf32>
    %broadcast_in_dim3A_105 = vector.shape_cast %reduce_sum3A_104 : vector<16xf32> to vector<16x1xf32>
    %reduce_sum3A_106 = arith.constant dense<0.000000e+00> : vector<16xf32>
    %reduce_sum3A_107 = vector.multi_reduction <add>, %mul3A_94, %reduce_sum3A_106 [1] : vector<16x2048xf32> to vector<16xf32>
    %broadcast_in_dim3A_108 = vector.shape_cast %reduce_sum3A_107 : vector<16xf32> to vector<16x1xf32>
    %reshape3A_109 = vector.shape_cast %mul3A_92 : vector<16x2048xf32> to vector<256x128xf32>
    %dot_general3A = arith.constant dense<0.000000e+00> : vector<256x128xf32>
    %dot_general3A_110 = tpu.matmul %reshape3A_109, %convert_element_type3A_97, %dot_general3A {dimension_numbers = #tpu.dot_dimension_numbers<[1], [0], [0], [1], [0, 0, 1, 1], [], []>, transpose_lhs_hint = false} : vector<256x128xf32>, vector<128x128xf32>, vector<256x128xf32> -> vector<256x128xf32>
    %reshape3A_111 = vector.shape_cast %dot_general3A_110 : vector<256x128xf32> to vector<16x16x128xf32>
    %slice3A_112 = vector.extract_strided_slice %reshape3A_111 {offsets = [0, 0, 127], sizes = [16, 16, 1], strides = [1, 1, 1]} : vector<16x16x128xf32> to vector<16x16x1xf32>
    %squeeze3A = vector.shape_cast %slice3A_112 : vector<16x16x1xf32> to vector<16x16xf32>
    %dot_general3A_113 = arith.constant dense<0.000000e+00> : vector<16x16xf32>
    %dot_general3A_114 = tpu.matmul %squeeze3A, %convert_element_type3A_102, %dot_general3A_113 {dimension_numbers = #tpu.dot_dimension_numbers<[1], [0], [0], [1], [0, 0, 1, 1], [], []>, transpose_lhs_hint = false} : vector<16x16xf32>, vector<16x16xf32>, vector<16x16xf32> -> vector<16x16xf32>
    %broadcast_in_dim3A_115 = vector.shape_cast %dot_general3A_114 : vector<16x16xf32> to vector<16x16x1xf32>
    %add3A_116 = vector.broadcast %broadcast_in_dim3A_115 : vector<16x16x1xf32> to vector<16x16x128xf32>
    %add3A_117 = arith.addf %reshape3A_111, %add3A_116 : vector<16x16x128xf32>
    %reshape3A_118 = vector.shape_cast %add3A_117 : vector<16x16x128xf32> to vector<16x2048xf32>
    %sub3A = vector.broadcast %broadcast_in_dim3A_105 : vector<16x1xf32> to vector<16x2048xf32>
    %sub3A_119 = arith.subf %sub3A, %reshape3A_118 : vector<16x2048xf32>
    %reshape3A_120 = vector.shape_cast %mul3A_94 : vector<16x2048xf32> to vector<256x128xf32>
    %dot_general3A_121 = arith.constant dense<0.000000e+00> : vector<256x128xf32>
    %dot_general3A_122 = tpu.matmul %reshape3A_120, %convert_element_type3A_97, %dot_general3A_121 {dimension_numbers = #tpu.dot_dimension_numbers<[1], [0], [0], [1], [0, 0, 1, 1], [], []>, transpose_lhs_hint = false} : vector<256x128xf32>, vector<128x128xf32>, vector<256x128xf32> -> vector<256x128xf32>
    %reshape3A_123 = vector.shape_cast %dot_general3A_122 : vector<256x128xf32> to vector<16x16x128xf32>
    %slice3A_124 = vector.extract_strided_slice %reshape3A_123 {offsets = [0, 0, 127], sizes = [16, 16, 1], strides = [1, 1, 1]} : vector<16x16x128xf32> to vector<16x16x1xf32>
    %squeeze3A_125 = vector.shape_cast %slice3A_124 : vector<16x16x1xf32> to vector<16x16xf32>
    %dot_general3A_126 = arith.constant dense<0.000000e+00> : vector<16x16xf32>
    %dot_general3A_127 = tpu.matmul %squeeze3A_125, %convert_element_type3A_102, %dot_general3A_126 {dimension_numbers = #tpu.dot_dimension_numbers<[1], [0], [0], [1], [0, 0, 1, 1], [], []>, transpose_lhs_hint = false} : vector<16x16xf32>, vector<16x16xf32>, vector<16x16xf32> -> vector<16x16xf32>
    %broadcast_in_dim3A_128 = vector.shape_cast %dot_general3A_127 : vector<16x16xf32> to vector<16x16x1xf32>
    %add3A_129 = vector.broadcast %broadcast_in_dim3A_128 : vector<16x16x1xf32> to vector<16x16x128xf32>
    %add3A_130 = arith.addf %reshape3A_123, %add3A_129 : vector<16x16x128xf32>
    %reshape3A_131 = vector.shape_cast %add3A_130 : vector<16x16x128xf32> to vector<16x2048xf32>
    %sub3A_132 = vector.broadcast %broadcast_in_dim3A_108 : vector<16x1xf32> to vector<16x2048xf32>
    %sub3A_133 = arith.subf %sub3A_132, %reshape3A_131 : vector<16x2048xf32>
    %add3A_134 = vector.broadcast %reshape3A : vector<16x1xf32> to vector<16x2048xf32>
    %add3A_135 = arith.addf %add3A_134, %sub3A_119 : vector<16x2048xf32>
    %div3A_136 = arith.divf %slice3A_14, %add3A_135 : vector<16x2048xf32>
    %sub3A_137 = vector.broadcast %reshape3A : vector<16x1xf32> to vector<16x2048xf32>
    %sub3A_138 = arith.subf %sub3A_137, %sub3A_133 : vector<16x2048xf32>
    %sub3A_139 = arith.subf %sub3A_138, %mul3A_94 : vector<16x2048xf32>
    %mul3A_140 = arith.mulf %slice3A, %sub3A_139 : vector<16x2048xf32>
    %add3A_141 = arith.addf %add3A_135, %mul3A_92 : vector<16x2048xf32>
    %mul3A_142 = arith.mulf %add3A_135, %add3A_141 : vector<16x2048xf32>
    %div3A_143 = arith.divf %mul3A_140, %mul3A_142 : vector<16x2048xf32>
    %add3A_144 = arith.addf %div3A_136, %div3A_143 : vector<16x2048xf32>
    %reduce_sum3A_145 = vector.shape_cast %add3A_144 : vector<16x2048xf32> to vector<1x16x2048xf32>
    %reduce_sum3A_146 = arith.constant dense<0.000000e+00> : vector<1xf32>
    %reduce_sum3A_147 = vector.multi_reduction <add>, %reduce_sum3A_145, %reduce_sum3A_146 [1, 2] : vector<1x16x2048xf32> to vector<1xf32>
    %reduce_sum3A_148 = vector.shape_cast %reduce_sum3A_147 : vector<1xf32> to vector<1x1x1xf32>
    %reduce_sum3A_149 = vector.extract %reduce_sum3A_148[0, 0, 0] : f32 from vector<1x1x1xf32>
    %div3A_150 = arith.constant 1.600000e+01 : f32
    %div3A_151 = arith.divf %reduce_sum3A_149, %div3A_150 : f32
    %reshape3A_152 = vector.broadcast %div3A_151 : f32 to vector<1x1xf32>
    %swap3A = arith.constant 0 : index
    %swap3A_153 = arith.constant 0 : index
    %swap3A_154 = vector.load %arg2[%swap3A, %swap3A_153] : memref<1x1xf32, #tpu.memory_space<vmem>>, vector<1x1xf32>
    tpu.vector_store %arg2[%swap3A, %swap3A_153], %reshape3A_152 {strides = array<i32>} : memref<1x1xf32, #tpu.memory_space<vmem>>, vector<1x1xf32>,
    return
  }
}

</mosaic_0001>

<sc_bundles>
// kernel: kernel.4.cloned.1.call-start
scs
__scs_entry_jumppad:
0x0: {  	(pc) =	sbr.rel $0x88, $3  }
0x1: {  	(tag) =	ssettag $0x0;
	lr =	simm.s32 $0x1  }
0x2: {  	[smem:$0x3F9F] =	sst lr;
	_ =	strace $0xD0000000  }
0x3: {  	_ = 	snop  }
0x4: {  	_ = 	snop  }
0x5: {  	_ = 	snop  }
0x6: {  	_ = 	snop  }
0x7: {  	_ = 	snop  }
__scs_overlays_trampoline_lowered:
0x8: {  	[smem:$0x3FAE] =	sst s0  }
0x9: {  	[smem:$0x3FAF] =	sst s1  }
0xa: {  	[smem:$0x3FB0] =	sst s2  }
0xb: {  	[smem:$0x3FB1] =	sst s3  }
0xc: {  	[smem:$0x3FB2] =	sst s4  }
0xd: {  	[smem:$0x3FB3] =	sst s5  }
0xe: {  	[smem:$0x3FB4] =	sst s6  }
0xf: {  	[smem:$0x3FB5] =	sst s7  }
0x10: {  	[smem:$0x3FB6] =	sst s8  }
0x11: {  	[smem:$0x3FB7] =	sst s9;
	s0 =	simm.s32 @!p0 $0x0  }
0x12: {  	s1 =	sld [smem:$0x3F9D];
	s0 =	simm.s32 @p0 $0x1  }
0x13: {  	[smem:$0x3FB8] =	sst s0;
	s0 =	simm.s32 @!p1 $0x0  }
0x14: {  	s2 =	sld [smem:$0x3F9C];
	s0 =	simm.s32 @p1 $0x1  }
0x15: {  	[smem:$0x3FB9] =	sst s0;
	s0 =	simm.s32 @!p2 $0x0  }
0x16: {  	s3 =	sld [smem:$0x3FDB];
	s0 =	simm.s32 @p2 $0x1  }
0x17: {  	s4 =	simm.s32 $0x1BF5;
	[smem:$0x3FBB] =	sst s0  }
0x18: {  	s0 =	sld [smem:$0x3F9E];
	_ =	swait.ge [sflag:s4], $0x0  }
0x19: {  	s7 =	sld [smem:$0x3F9F]  }
0x1a: {  	s8 =	sadd.s32 $0xFFFFE003, lr  }
0x1b: {  	s9 =	sadd.s32 $0xFFFFFEF7, lr;
	s5 =	simm.s32 $0xFFFFFFFF;
	p2 =	slt.u32 s8, $0xFFFFF086  }
0x1c: {  	p1 =	slt.u32 s9, $0xF7A;
	s5 =	simm.s32 @!p2 $0x0  }
0x1d: {  	s5 =	simm.s32 @p1 $0x1;
	p0 =	seq.s32 s7, s2  }
0x1e: {  	s7 =	smul.u32 @!p0 $0xF7A, s2;
	p2 =	seq.s32 @!p0 s5, $0x0  }
0x1f: {  	s9 =	smul.u32 $0xF7A, s1;
	s8 =	simm.s32 @!p0 $0x1BF5;
	p2 =	por !p2, p0  }
0x20: {  	[sflag:s8] =	ssyncset.s32 @!p0 $0xFFFFF086;
	s6 =	sadd.s32 @!p0 s3, s7;
	s7 =	simm.s32 @!p0 $0x108  }
0x21: {  	s3 =	sadd.s32 s3, s9;
	s6 =	sadd.s32 @!p0 $0x88, s6;
	s7 =	simm.s32 @p2 $0x1082  }
0x22: {  	[simem:s7], [sflag:s8] =	dma.local @!p0 [hbm:s6], $0xF7A  }
0x23: {  	s9 =	sor.u32 $0xD0000000, s2;
	s6 =	simm.s32 $0x108;
	_ =	swait.ge @!p0 [sflag:s8], $0x0  }
0x24: {  	s3 =	sadd.s32 $0x88, s3;
	s6 =	simm.s32 @!p1 $0x1082;
	[sflag:s4] =	ssyncset.s32 $0xFFFFF086  }
0x25: {  	[simem:s6], [sflag:s4] =	dma.local [hbm:s3], $0xF7A  }
0x26: {  	[smem:$0x3F9F] =	sst s1;
	(tag) =	ssettag s2;
	_ =	strace s9  }
0x27: {  	s1 =	sld [smem:$0x3FAF]  }
0x28: {  	s2 =	sld [smem:$0x3FB0]  }
0x29: {  	s4 =	sld [smem:$0x3FB2]  }
0x2a: {  	p0 =	seq.s32 s5, $0x0;
	s5 =	sld [smem:$0x3FB3]  }
0x2b: {  	s6 =	sld [smem:$0x3FB4]  }
0x2c: {  	s7 =	sld [smem:$0x3FB5]  }
0x2d: {  	s3 =	simm.s32 $0x108;
	s8 =	sld [smem:$0x3FB6]  }
0x2e: {  	s3 =	simm.s32 @!p0 $0x1082;
	s9 =	sld [smem:$0x3FB7]  }
0x2f: {  	lr =	sadd.s32 s0, s3;
	s0 =	sld [smem:$0x3FAE]  }
0x30: {  	s3 =	sld [smem:$0x3FB1]  }
0x31: {  	[smem:$0x3FBA] =	sst s10  }
0x32: {  	s10 =	sld [smem:$0x3FB8];
	_ =	sdelay $0x3  }
0x33: {  	p0 =	seq.s32 s10, $0x1;
	s10 =	sld [smem:$0x3FBA];
	_ =	sdelay $0x3  }
0x34: {  	[smem:$0x3FBA] =	sst s10  }
0x35: {  	s10 =	sld [smem:$0x3FB9];
	_ =	sdelay $0x3  }
0x36: {  	p1 =	seq.s32 s10, $0x1;
	s10 =	sld [smem:$0x3FBA];
	_ =	sdelay $0x3  }
0x37: {  	[smem:$0x3FBA] =	sst s10  }
0x38: {  	s10 =	sld [smem:$0x3FBB]  }
0x39: {  	_ = 	snop;
	(pc) =	sbr.ind lr, $3  }
0x3a: {  	_ = 	snop  }
0x3b: {  	_ = 	snop  }
0x3c: {  	p2 =	seq.s32 s10, $0x1;
	s10 =	sld [smem:$0x3FBA]  }
0x3d: {  	_ =	shalt  }
0x3e: {  	_ =	shalt  }
0x3f: {  	_ =	shalt  }
0x40: {  	_ =	shalt  }
0x41: {  	_ =	shalt  }
0x42: {  	_ =	shalt  }
0x43: {  	_ =	shalt  }
0x44: {  	_ =	shalt  }
0x45: {  	_ =	shalt  }
0x46: {  	_ =	shalt  }
0x47: {  	_ =	shalt  }
0x48: {  	_ =	shalt  }
0x49: {  	_ =	shalt  }
0x4a: {  	_ =	shalt  }
0x4b: {  	_ =	shalt  }
0x4c: {  	_ =	shalt  }
0x4d: {  	_ =	shalt  }
0x4e: {  	_ =	shalt  }
0x4f: {  	_ =	shalt  }
0x50: {  	_ =	shalt  }
0x51: {  	_ =	shalt  }
0x52: {  	_ =	shalt  }
0x53: {  	_ =	shalt  }
0x54: {  	_ =	shalt  }
0x55: {  	_ =	shalt  }
0x56: {  	_ =	shalt  }
0x57: {  	_ =	shalt  }
0x58: {  	_ =	shalt  }
0x59: {  	_ =	shalt  }
0x5a: {  	_ =	shalt  }
0x5b: {  	_ =	shalt  }
0x5c: {  	_ =	shalt  }
0x5d: {  	_ =	shalt  }
0x5e: {  	_ =	shalt  }
0x5f: {  	_ =	shalt  }
0x60: {  	_ =	shalt  }
0x61: {  	_ =	shalt  }
0x62: {  	_ =	shalt  }
0x63: {  	_ =	shalt  }
0x64: {  	_ =	shalt  }
0x65: {  	_ =	shalt  }
0x66: {  	_ =	shalt  }
0x67: {  	_ =	shalt  }
0x68: {  	_ =	shalt  }
0x69: {  	_ =	shalt  }
0x6a: {  	_ =	shalt  }
0x6b: {  	_ =	shalt  }
0x6c: {  	_ =	shalt  }
0x6d: {  	_ =	shalt  }
0x6e: {  	_ =	shalt  }
0x6f: {  	_ =	shalt  }
0x70: {  	_ =	shalt  }
0x71: {  	_ =	shalt  }
0x72: {  	_ =	shalt  }
0x73: {  	_ =	shalt  }
0x74: {  	_ =	shalt  }
0x75: {  	_ =	shalt  }
0x76: {  	_ =	shalt  }
0x77: {  	_ =	shalt  }
0x78: {  	_ =	shalt  }
0x79: {  	_ =	shalt  }
0x7a: {  	_ =	shalt  }
0x7b: {  	_ =	shalt  }
0x7c: {  	_ =	shalt  }
0x7d: {  	_ =	shalt  }
0x7e: {  	_ =	shalt  }
0x7f: {  	_ =	shalt  }
0x80: {  	_ =	shalt  }
0x81: {  	_ =	shalt  }
0x82: {  	_ =	shalt  }
0x83: {  	_ =	shalt  }
0x84: {  	_ =	shalt  }
0x85: {  	_ =	shalt  }
0x86: {  	_ =	shalt  }
0x87: {  	_ =	shalt  }
.Lfunc_end0:
.L_simem_size_0:
called_computation_lowered:
.L_overlay_start_0:
0x88: {  	s2 =	sld [smem:$0x3FD9]  }
0x89: {  	s3 =	sld [smem:$0x3FFE];
	_ =	sdelay $0x1  }
0x8a: {  	s1 =	srdreg.scid  }
0x8b: {  	s0 =	sand.u32 $0x1, s1  }
0x8c: {  	s16 =	sshll.u32 s0, $0xA;
	s2 =	sadd.s32 s3, s2  }
0x8d: {  	s2 =	sadd.s32 s2, s16  }
0x8e: {  	[smem:$0x3FC6] =	sst s2  }
0x8f: {  	_ = 	snop  }
0x90: {  	(tm) =	ssettm $0x1  }
0x91: {  	s17 =	sld [smem:$0x3FFB];
	_ =	sdelay $0x3  }
0x92: {  	_ =	strace s17  }
0x93: {  	s2 =	sld [smem:$0x3FFC];
	_ =	sdelay $0x3  }
0x94: {  	_ =	strace s2  }
0x95: {  	s2 =	sld [smem:$0x3FFD];
	_ =	sdelay $0x3  }
0x96: {  	_ =	strace s2  }
0x97: {  	_ =	strace $0x8FFFFFFF  }
0x98: {  	s18 =	sld [smem:$0x3FDB];
	_ =	sdelay $0x1  }
0x99: {  	s19 =	simm.s32 $_scs_section_size  }
0x9a: {  	s4 =	simm.s32 $_size__tile_overlayer_lowered;
	s5 =	simm.s32 $_tile_overlayer_lowered  }
0x9b: {  	s22 =	simm.s32 $0x1BFF;
	s21 =	sshll.u32 s5, $0x1;
	s2 =	sadd.s32 s19, s18  }
0x9c: {  	s6 =	simm.s32 $0x0;
	s20 =	sshll.u32 s4, $0x1;
	s4 =	sadd.s32 s21, s2  }
0x9d: {  	[timem:s6], [sflag:s22] =	dma.local [hbm:s4], s20  }
0x9e: {  	_ =	swait.ge [sflag:s22], s20  }
0x9f: {  	s3 =	ssub.s32 $0x0, s20;
	[sflag:s22] =	ssyncset.done $0x0  }
0xa0: {  	[sflag:s22] =	ssyncadd.s32 s3;
	_ =	sdelay $0x1  }
0xa1: {  	s23 =	simm.s32 $0x1B8B  }
0xa2: {  	_ =	swait.ge [sflag:s23], $0x1  }
0xa3: {  	[sflag:s23] =	ssyncset.done $0x0  }
0xa4: {  	s25 =	simm.s32 $0x1B8E;
	s24 =	sld [smem:$0x3FFE];
	[sflag:s23] =	ssyncadd.s32 $0xFFFFFFFF  }
0xa5: {  	s26 =	simm.s32 $execute0_lowered;
	[smem:$0x3FD2] =	sst s25  }
0xa6: {  	s4 =	sshll.u32 s26, $0x1;
	_ =	strace $0x80000046;
	[dreg:$0x1] =	wrdreg $0xFFFFFFFF  }
0xa7: {  	s28 =	simm.s32 $_size_execute0_lowered;
	s2 =	sadd.s32 s2, s4;
	[dreg:$0x0] =	wrdreg $0x0  }
0xa8: {  	s4 =	sshll.u32 s28, $0x1;
	[dreg:$0x2] =	wrdreg s2  }
0xa9: {  	[dreg:$0x3] =	wrdreg s4  }
0xaa: {  	[dreg:$0x4] =	wrdreg $0xC0  }
0xab: {  	_ =	task [dreg:s6], $0x5FFFF  }
0xac: {  	[dreg:$0x1] =	wrdreg $0xFFFFFFFF  }
0xad: {  	[dreg:$0x0] =	wrdreg $0x60  }
0xae: {  	[dreg:$0x2] =	wrdreg s24  }
0xaf: {  	[dreg:$0x3] =	wrdreg $0x9  }
0xb0: {  	_ =	task.clear_ibuf [dreg:s6], $0x4FFFF;
	_ =	strace $0x90000046  }
0xb1: {  	s29 =	simm.s32 $0x9;
	_ =	strace $0x80000048  }
0xb2: {  	_ =	swait.ge [sflag:s29], $0x1  }
0xb3: {  	[sflag:s29] =	ssyncadd.s32 $0xFFFFFFFF  }
0xb4: {  	_ =	strace $0x90000048  }
0xb5: {  	_ =	sfence  }
0xb6: {  	s30 =	sld [smem:$0x0];
	_ =	sdelay $0x2  }
0xb7: {  	s31 =	sshll.u32 s1, $0xD;
	s1 =	sshrl.u32 s1, $0x2  }
0xb8: {  	s3 =	sand.u32 $0x4000, s31;
	s1 =	sadd.s32 s1, s30  }
0xb9: {  	s0 =	sor.u32 s3, s0;
	s1 =	sshll.u32 s1, $0x11  }
0xba: {  	s0 =	sor.u32 s1, s0  }
0xbb: {  	s0 =	sadd.s32 $0x8F2B, s0  }
0xbc: {  	[sflag:s0] =	ssyncadd.remote.s32 $0x1  }
0xbd: {  	_ =	sfence.sel $0xFFFF  }
0xbe: {  	[dreg:$0x0] =	wrdreg $0xFFFFFFFF;
	(pc) =	sbr.abs _section_cstart, $3  }
0xbf: {  	[dreg:$0x1] =	wrdreg $0xFFFFFFFF  }
0xc0: {  	_ =	task.clear_ibuf [dreg:s6], $0x2FFFF;
	_ =	strace $0x9FFFFFFF  }
0xc1: {  	(tm) =	ssettm $0x7FFFFFFF  }
tec
execute0_lowered:
.L_overlay_start_1:
0x0: {  	(tag) =	ssettag $0x1  }
0x1: {  	s5 =	rddreg [dreg:$0x0]  }
0x2: {  	s0 =	rddreg [dreg:$0x1]  }
0x3: {  	s3 =	srdreg.scid;
	s2 =	simm.s32 $0x0;
	s1 =	stileid.u32  }
0x4: {  	s13 =	simm.s32 $0x8000;
	s14 =	simm.s32 $0x100;
	s15 =	simm.s32 $0x18000  }
0x5: {  	s16 =	simm.s32 $0x19000;
	s17 =	simm.s32 $0x0;
	s6 =	sand.u32 $0x1, s3  }
0x6: {  	[smem:$0x7FF] =	sst s2;
	s29 =	sshll.u32 s1, $0xD;
	s3 =	sadd.s32 $0xE00, s5  }
0x7: {  	s9 =	sshll.u32 s1, $0x8;
	s10 =	sshll.u32 s1, $0xF;
	s11 =	sshll.u32 s1, $0x4  }
0x8: {  	s7 =	sshll.u32 s6, $0x7;
	_ =	strace $0x80000047;
	s30 =	ssub.s32 $0x2, s6  }
0x9: {  	s6 =	sshll.u32 s6, $0x11;
	s10 =	sand.u32 $0x40000, s10;
	s31 =	sand.u32 $0x70, s11  }
0xa: {  	s11 =	simm.s32 $0x1;
	s4 =	sor.u32 s7, s29;
	s7 =	sor.u32 s7, s9  }
0xb: {  	s12 =	sshrl.u32 s30, $0x1;
	s6 =	sor.u32 s10, s6;
	s10 =	simm.s32 $0x400  }
0xc: {  	s8 =	sshrl.u32 s4, $0x3;
	s4 =	sadd.s32 $0x80E00, s5;
	s7 =	sshrl.u32 s7, $0x3  }
0xd: {  	s9 =	ssub.s32 s30, s12;
	s12 =	simm.s32 $0x4000;
	s8 =	sadd.s32 s8, s5  }
0xe: {  	v1 =	vlaneseq.u32;
	s7 =	sadd.s32 s7, s5;
	s5 =	sor.u32 s31, s6;
	s6 =	sadd.s32 $0x100E00, s8  }
0xf: {  	v0 =	vimm.f32 $0.0e+00;
	v1 =	vmul.u32 $0x1000, v1;
	s7 =	sadd.s32 $0x104E00, s7;
	s8 =	smax.u32 s9, $0x1;
	s9 =	simm.s32 $0x80  }
.LBB2_1:
0x10: {  	s18 =	simm.s32 $0x8040  }
0x11: {  	[tilespmem:s18+$0xFFFFFFC0] =	vst v0  }
0x12: {  	[tilespmem:s18+$0x30] =	vst v0  }
0x13: {  	[tilespmem:s18+$0x20] =	vst v0  }
0x14: {  	[tilespmem:s18+$0x10] =	vst v0  }
0x15: {  	[tilespmem:s18+$0x0] =	vst v0  }
0x16: {  	[tilespmem:s18+$0xFFFFFFF0] =	vst v0  }
0x17: {  	s19 =	simm.s32 $0x0;
	[tilespmem:s18+$0xFFFFFFE0] =	vst v0  }
.LBB2_2:
0x18: {  	s19 =	sadd.s32 $0x8, s19;
	[tilespmem:s18+$0xFFFFFFD0] =	vst v0;
	s18 =	sadd.s32 $0x80, s18;
	v2 =	vimm.s32 $0x0  }
0x19: {  	[tilespmem:s18+$0xFFFFFFC0] =	vst v0;
	p0 =	slt.u32 s19, $0xFF8  }
0x1a: {  	[tilespmem:s18+$0x30] =	vst v0  }
.Ltmp0:
0x1b: {  	[tilespmem:s18+$0x20] =	vst v0;
	(pc) =	sbr.rel @p0 .LBB2_2-.Ltmp0, $4  }
0x1c: {  	[tilespmem:s18+$0x10] =	vst v0  }
0x1d: {  	[tilespmem:s18+$0x0] =	vst v0  }
0x1e: {  	[tilespmem:s18+$0xFFFFFFF0] =	vst v0  }
0x1f: {  	[tilespmem:s18+$0xFFFFFFE0] =	vst v0  }
0x20: {  	[tilespmem:s18+$0xFFFFFFD0] =	vst v0;
	s18 =	simm.s32 $0x0  }
.LBB2_4:
0x21: {  	s19 =	sshll.u32 s18, $0xE  }
0x22: {  	s19 =	sadd.s32 s5, s19  }
0x23: {  	s20 =	sadd.s32 s3, s19  }
0x24: {  	[tilespmem:s2], [sflag:$0x1] =	stream.strided.gather [hbm4b:s20+s9], $0x4000, s10, s9, $0x38;
	[tilespmem:$0x19080] =	vst v63  }
0x25: {  	_ =	swait.ge [sflag:s11], $0x4000  }
0x26: {  	[sflag:s11] =	ssyncset.done $0x0  }
0x27: {  	s19 =	sadd.s32 s4, s19;
	[sflag:s11] =	ssyncadd.s32 $0xFFFFC000  }
0x28: {  	[tilespmem:s12], [sflag:$0x1] =	stream.strided.gather [hbm4b:s19+s9], $0x4000, s10, s9, $0x38;
	[tilespmem:$0x19080] =	vst v63  }
0x29: {  	_ =	swait.ge [sflag:s11], $0x4000  }
0x2a: {  	[sflag:s11] =	ssyncset.done $0x0  }
0x2b: {  	s19 =	simm.s32 $0x4040;
	[sflag:s11] =	ssyncadd.s32 $0xFFFFC000  }
0x2c: {  	v5 =	vld [tilespmem:s19+$0xFFFFFFC0]  }
0x2d: {  	v7 =	vld [tilespmem:s19+$0xFFFFFFD0]  }
0x2e: {  	v9 =	vld [tilespmem:s19+$0xFFFFFFE0]  }
0x2f: {  	v10 =	vld [tilespmem:s19+$0xFFFFFFF0]  }
0x30: {  	v4 =	vld [tilespmem:s19+$0x0]  }
0x31: {  	s20 =	simm.s32 $0x40  }
0x32: {  	v14 =	vld [tilespmem:s20+$0xFFFFFFC0];
	v8 =	vcvt.s32.f32 v5  }
0x33: {  	v16 =	vld [tilespmem:s20+$0xFFFFFFD0];
	v3 =	vshll.u32 v5, $0xB;
	v2 =	vadd.s32 v2, v5;
	v11 =	vcvt.s32.f32 v7  }
0x34: {  	v5 =	vld [tilespmem:s19+$0x10];
	v6 =	vshll.u32 v7, $0xB;
	v13 =	vcvt.s32.f32 v9;
	v15 =	vcvt.s32.f32 v10  }
0x35: {  	v17 =	vcvt.s32.f32 v4;
	v2 =	vadd.s32 v7, v2;
	v7 =	vld [tilespmem:s19+$0x20];
	v12 =	vadd.f32 v8, v8  }
0x36: {  	v18 =	vld [tilespmem:s20+$0xFFFFFFE0];
	v11 =	vadd.f32 v11, v11;
	v13 =	vadd.f32 v13, v13  }
0x37: {  	v20 =	vld [tilespmem:s20+$0xFFFFFFF0];
	v2 =	vadd.s32 v9, v2;
	v15 =	vadd.f32 v15, v15;
	v17 =	vadd.f32 v17, v17  }
0x38: {  	v8 =	vld [tilespmem:s19+$0x30];
	v9 =	vshll.u32 v9, $0xB;
	v2 =	vadd.s32 v10, v2;
	v10 =	vshll.u32 v10, $0xB  }
0x39: {  	v22 =	vld [tilespmem:s20+$0x0];
	v2 =	vadd.s32 v4, v2;
	v12 =	vadd.f32 $-1.000000000e+00, v12;
	v11 =	vadd.f32 $-1.000000000e+00, v11  }
0x3a: {  	v13 =	vadd.f32 $-1.000000000e+00, v13;
	v19 =	vcvt.s32.f32 v5;
	v21 =	vcvt.s32.f32 v7  }
0x3b: {  	v12 =	vmul.f32 v12, v14;
	v14 =	vadd.f32 $-1.000000000e+00, v15;
	v15 =	vmul.f32 v11, v16  }
0x3c: {  	v24 =	vld [tilespmem:s20+$0x10];
	v16 =	vadd.f32 $-1.000000000e+00, v17;
	v13 =	vmul.f32 v13, v18;
	v19 =	vadd.f32 v19, v19  }
0x3d: {  	v25 =	vld [tilespmem:s20+$0x20];
	v23 =	vcvt.s32.f32 v8;
	v21 =	vadd.f32 v21, v21;
	v11 =	vsub.f32 $1.000000000e+00, v12  }
0x3e: {  	v26 =	vld [tilespmem:s20+$0x30];
	v12 =	vmul.f32 v14, v20;
	v14 =	vmul.f32 v16, v22;
	v16 =	vsub.f32 $1.000000000e+00, v15  }
0x3f: {  	v2 =	vadd.s32 v5, v2;
	v15 =	vsub.f32 $1.000000000e+00, v13;
	v23 =	vadd.f32 v23, v23  }
0x40: {  	v2 =	vadd.s32 v7, v2;
	v17 =	vadd.f32 $-1.000000000e+00, v19;
	v18 =	vadd.f32 $-1.000000000e+00, v21  }
0x41: {  	v2 =	vadd.s32 v8, v2;
	v12 =	vsub.f32 $1.000000000e+00, v12;
	v19 =	vadd.f32 $-1.000000000e+00, v23  }
0x42: {  	v27 =	vshra.s32 v15, $0x1F;
	v17 =	vmul.f32 v17, v24;
	v23 =	vshra.s32 v11, $0x1F  }
0x43: {  	v24 =	vshra.s32 v16, $0x1F;
	v20 =	vmul.f32 v18, v25;
	v19 =	vmul.f32 v19, v26  }
0x44: {  	v18 =	vsub.f32 $1.000000000e+00, v14;
	v21 =	vshra.s32 v12, $0x1F;
	v13 =	vsub.f32 $1.000000000e+00, v17  }
0x45: {  	v26 =	vor.u32 $0x80000000, v23;
	v17 =	vsub.f32 $1.000000000e+00, v20;
	v14 =	vsub.f32 $1.000000000e+00, v19  }
0x46: {  	v23 =	vor.u32 $0x80000000, v24;
	v24 =	vor.u32 $0x80000000, v27;
	v22 =	vshra.s32 v18, $0x1F  }
0x47: {  	s21 =	simm.s32 $0x0;
	v25 =	vshra.s32 v13, $0x1F;
	v19 =	vshra.s32 v17, $0x1F;
	v20 =	vshra.s32 v14, $0x1F  }
.LBB2_5:
0x48: {  	s21 =	sadd.s32 $0x8, s21;
	v21 =	vor.u32 $0x80000000, v21;
	v22 =	vor.u32 $0x80000000, v22;
	v25 =	vor.u32 $0x80000000, v25  }
0x49: {  	v26 =	vxor.u32 v11, v26;
	v19 =	vor.u32 $0x80000000, v19;
	v20 =	vor.u32 $0x80000000, v20;
	p0 =	slt.u32 s21, $0x3F8  }
0x4a: {  	v23 =	vxor.u32 v16, v23;
	v24 =	vxor.u32 v15, v24;
	v21 =	vxor.u32 v12, v21  }
0x4b: {  	v22 =	vxor.u32 v18, v22;
	v25 =	vxor.u32 v13, v25;
	v19 =	vxor.u32 v17, v19  }
0x4c: {  	v26 =	vshrl.u32 v26, $0x1;
	v23 =	vshrl.u32 v23, $0x1;
	v20 =	vxor.u32 v14, v20  }
0x4d: {  	s20 =	sadd.s32 $0x80, s20;
	v24 =	vshrl.u32 v24, $0x1;
	v21 =	vshrl.u32 v21, $0x1;
	v22 =	vshrl.u32 v22, $0x1  }
0x4e: {  	v25 =	vshrl.u32 v25, $0x1;
	v19 =	vshrl.u32 v19, $0x1;
	v20 =	vshrl.u32 v20, $0x1;
	v27 =	vld [tilespmem:s20+$0xFFFFFFC0]  }
0x4f: {  	v26 =	vshrl.u32 v26, $0x14;
	v23 =	vshrl.u32 v23, $0x14;
	v24 =	vshrl.u32 v24, $0x14;
	v28 =	vld [tilespmem:s20+$0xFFFFFFD0]  }
0x50: {  	v21 =	vshrl.u32 v21, $0x14;
	v22 =	vshrl.u32 v22, $0x14;
	v25 =	vshrl.u32 v25, $0x14;
	v29 =	vld [tilespmem:s20+$0xFFFFFFE0]  }
0x51: {  	v4 =	vshll.u32 v4, $0xB;
	v19 =	vshrl.u32 v19, $0x14;
	v20 =	vshrl.u32 v20, $0x14;
	v30 =	vld [tilespmem:s20+$0xFFFFFFF0]  }
0x52: {  	v5 =	vshll.u32 v5, $0xB;
	v7 =	vshll.u32 v7, $0xB;
	v8 =	vshll.u32 v8, $0xB;
	v31 =	vld [tilespmem:s20+$0x0]  }
0x53: {  	v3 =	vor.u32 v26, v3;
	v6 =	vor.u32 v23, v6;
	v9 =	vor.u32 v24, v9;
	v32 =	vld [tilespmem:s20+$0x10]  }
0x54: {  	v10 =	vor.u32 v21, v10;
	v4 =	vor.u32 v22, v4;
	v5 =	vor.u32 v25, v5;
	v23 =	vld [tilespmem:s20+$0x20]  }
0x55: {  	s19 =	sadd.s32 $0x80, s19;
	v22 =	vadd.s32 v1, v3;
	v3 =	vor.u32 v19, v7;
	v7 =	vor.u32 v20, v8;
	v21 =	vld [tilespmem:s20+$0x30]  }
0x56: {  	v19 =	vadd.s32 v1, v6;
	v9 =	vadd.s32 v1, v9;
	v10 =	vadd.s32 v1, v10;
	v8 =	vld [tilespmem:s19+$0xFFFFFFC0]  }
0x57: {  	v24 =	vadd.s32 v1, v4;
	v25 =	vadd.s32 v1, v5;
	v26 =	vadd.s32 v1, v3;
	v20 =	vld [tilespmem:s19+$0xFFFFFFD0]  }
0x58: {  	v11 =	vmax.f32 v11, $0.0e+00;
	v16 =	vmax.f32 v16, $0.0e+00;
	v34 =	vadd.s32 v1, v7;
	v33 =	vld [tilespmem:s19+$0xFFFFFFE0]  }
0x59: {  	v15 =	vmax.f32 v15, $0.0e+00;
	v12 =	vmax.f32 v12, $0.0e+00;
	v18 =	vmax.f32 v18, $0.0e+00;
	v35 =	vld [tilespmem:s19+$0xFFFFFFF0]  }
0x5a: {  	v13 =	vmax.f32 v13, $0.0e+00;
	v17 =	vmax.f32 v17, $0.0e+00;
	v14 =	vmax.f32 v14, $0.0e+00;
	v4 =	vld [tilespmem:s19+$0x0]  }
0x5b: {  	v36 =	vcvt.s32.f32 v8;
	v3 =	vshll.u32 v8, $0xB;
	v2 =	vadd.s32 v2, v8;
	v5 =	vld [tilespmem:s19+$0x10]  }
0x5c: {  	v37 =	vcvt.s32.f32 v20;
	v6 =	vshll.u32 v20, $0xB;
	v2 =	vadd.s32 v20, v2;
	v7 =	vld [tilespmem:s19+$0x20]  }
0x5d: {  	v20 =	vadd.f32 v36, v36;
	v36 =	vcvt.s32.f32 v33;
	v2 =	vadd.s32 v33, v2;
	v8 =	vld [tilespmem:s19+$0x30]  }
0x5e: {  	v37 =	vadd.f32 v37, v37;
	v38 =	vcvt.s32.f32 v35;
	v2 =	vadd.s32 v35, v2;
	[tilespmem:v22+s13+$0x0] =	vst.idx.add.f32.msk $0xffff, v11  }
0x5f: {  	v11 =	vadd.f32 v36, v36;
	v22 =	vcvt.s32.f32 v4;
	v2 =	vadd.s32 v4, v2;
	[tilespmem:v19+s13+$0x0] =	vst.idx.add.f32.msk $0xffff, v16  }
0x60: {  	v16 =	vadd.f32 v38, v38;
	v19 =	vcvt.s32.f32 v5;
	v2 =	vadd.s32 v5, v2;
	[tilespmem:v9+s13+$0x0] =	vst.idx.add.f32.msk $0xffff, v15  }
0x61: {  	v15 =	vadd.f32 v22, v22;
	v22 =	vcvt.s32.f32 v7;
	v2 =	vadd.s32 v7, v2;
	[tilespmem:v10+s13+$0x0] =	vst.idx.add.f32.msk $0xffff, v12  }
0x62: {  	v12 =	vadd.f32 v19, v19;
	v19 =	vcvt.s32.f32 v8;
	v2 =	vadd.s32 v8, v2;
	[tilespmem:v24+s13+$0x0] =	vst.idx.add.f32.msk $0xffff, v18  }
0x63: {  	v9 =	vshll.u32 v33, $0xB;
	v18 =	vadd.f32 $-1.000000000e+00, v20;
	v20 =	vadd.f32 v22, v22;
	[tilespmem:v25+s13+$0x0] =	vst.idx.add.f32.msk $0xffff, v13  }
0x64: {  	v10 =	vshll.u32 v35, $0xB;
	v13 =	vadd.f32 $-1.000000000e+00, v37;
	v19 =	vadd.f32 v19, v19;
	[tilespmem:v26+s13+$0x0] =	vst.idx.add.f32.msk $0xffff, v17  }
0x65: {  	v11 =	vadd.f32 $-1.000000000e+00, v11;
	v16 =	vadd.f32 $-1.000000000e+00, v16;
	v17 =	vmul.f32 v18, v27;
	[tilespmem:v34+s13+$0x0] =	vst.idx.add.f32.msk $0xffff, v14  }
0x66: {  	v12 =	vadd.f32 $-1.000000000e+00, v12;
	v13 =	vmul.f32 v13, v28;
	v14 =	vadd.f32 $-1.000000000e+00, v15  }
0x67: {  	v15 =	vmul.f32 v11, v29;
	v18 =	vadd.f32 $-1.000000000e+00, v20;
	v19 =	vadd.f32 $-1.000000000e+00, v19  }
0x68: {  	v11 =	vsub.f32 $1.000000000e+00, v17;
	v17 =	vmul.f32 v16, v30;
	v14 =	vmul.f32 v14, v31  }
0x69: {  	v16 =	vsub.f32 $1.000000000e+00, v13;
	v13 =	vmul.f32 v12, v32;
	v20 =	vmul.f32 v18, v23  }
0x6a: {  	v15 =	vsub.f32 $1.000000000e+00, v15;
	v12 =	vsub.f32 $1.000000000e+00, v17;
	v19 =	vmul.f32 v19, v21  }
.Ltmp1:
0x6b: {  	v23 =	vshra.s32 v11, $0x1F;
	v18 =	vsub.f32 $1.000000000e+00, v14;
	v13 =	vsub.f32 $1.000000000e+00, v13;
	(pc) =	sbr.rel @p0 .LBB2_5-.Ltmp1, $4  }
0x6c: {  	v24 =	vshra.s32 v16, $0x1F;
	v17 =	vsub.f32 $1.000000000e+00, v20;
	v14 =	vsub.f32 $1.000000000e+00, v19  }
0x6d: {  	v27 =	vshra.s32 v15, $0x1F;
	v21 =	vshra.s32 v12, $0x1F;
	v22 =	vshra.s32 v18, $0x1F  }
0x6e: {  	v25 =	vshra.s32 v13, $0x1F;
	v19 =	vshra.s32 v17, $0x1F;
	v20 =	vshra.s32 v14, $0x1F  }
0x6f: {  	v26 =	vor.u32 $0x80000000, v23;
	v23 =	vor.u32 $0x80000000, v24;
	v24 =	vor.u32 $0x80000000, v27  }
0x70: {  	v21 =	vor.u32 $0x80000000, v21;
	v22 =	vor.u32 $0x80000000, v22;
	v25 =	vor.u32 $0x80000000, v25  }
0x71: {  	v26 =	vxor.u32 v11, v26;
	v19 =	vor.u32 $0x80000000, v19;
	v20 =	vor.u32 $0x80000000, v20  }
0x72: {  	v23 =	vxor.u32 v16, v23;
	v24 =	vxor.u32 v15, v24;
	v4 =	vshll.u32 v4, $0xB  }
0x73: {  	v5 =	vshll.u32 v5, $0xB;
	v7 =	vshll.u32 v7, $0xB;
	v8 =	vshll.u32 v8, $0xB  }
0x74: {  	v56 =	vmax.f32 v11, $0.0e+00;
	v57 =	vmax.f32 v16, $0.0e+00;
	v21 =	vxor.u32 v12, v21  }
0x75: {  	v22 =	vxor.u32 v18, v22;
	v25 =	vxor.u32 v13, v25;
	v19 =	vxor.u32 v17, v19  }
0x76: {  	v26 =	vshrl.u32 v26, $0x1;
	v23 =	vshrl.u32 v23, $0x1;
	v20 =	vxor.u32 v14, v20  }
0x77: {  	v24 =	vshrl.u32 v24, $0x1;
	v21 =	vshrl.u32 v21, $0x1;
	v22 =	vshrl.u32 v22, $0x1  }
0x78: {  	v25 =	vshrl.u32 v25, $0x1;
	v19 =	vshrl.u32 v19, $0x1;
	v26 =	vshrl.u32 v26, $0x14  }
0x79: {  	v20 =	vshrl.u32 v20, $0x1;
	v23 =	vshrl.u32 v23, $0x14;
	v3 =	vor.u32 v26, v3  }
0x7a: {  	v24 =	vshrl.u32 v24, $0x14;
	v6 =	vor.u32 v23, v6;
	v3 =	vadd.s32 v1, v3  }
0x7b: {  	v21 =	vshrl.u32 v21, $0x14;
	v9 =	vor.u32 v24, v9;
	v6 =	vadd.s32 v1, v6  }
0x7c: {  	v22 =	vshrl.u32 v22, $0x14;
	v10 =	vor.u32 v21, v10;
	v9 =	vadd.s32 v1, v9  }
0x7d: {  	v25 =	vshrl.u32 v25, $0x14;
	v4 =	vor.u32 v22, v4;
	v10 =	vadd.s32 v1, v10  }
0x7e: {  	v19 =	vshrl.u32 v19, $0x14;
	v5 =	vor.u32 v25, v5;
	v4 =	vadd.s32 v1, v4  }
0x7f: {  	v20 =	vshrl.u32 v20, $0x14;
	v7 =	vor.u32 v19, v7;
	v5 =	vadd.s32 v1, v5;
	[tilespmem:v3+s13+$0x0] =	vst.idx.add.f32.msk $0xffff, v56  }
0x80: {  	v58 =	vmax.f32 v15, $0.0e+00;
	s18 =	sadd.s32 $0x1, s18;
	v7 =	vadd.s32 v1, v7;
	v3 =	vor.u32 v20, v8;
	[tilespmem:v6+s13+$0x0] =	vst.idx.add.f32.msk $0xffff, v57  }
0x81: {  	v59 =	vmax.f32 v12, $0.0e+00;
	p0 =	sne.s32 s18, $0x8;
	[tilespmem:v9+s13+$0x0] =	vst.idx.add.f32.msk $0xffff, v58;
	v3 =	vadd.s32 v1, v3  }
.Ltmp2:
0x82: {  	v60 =	vmax.f32 v18, $0.0e+00;
	[tilespmem:v10+s13+$0x0] =	vst.idx.add.f32.msk $0xffff, v59;
	(pc) =	sbr.rel @p0 .LBB2_4-.Ltmp2, $4  }
0x83: {  	v61 =	vmax.f32 v13, $0.0e+00;
	[tilespmem:v4+s13+$0x0] =	vst.idx.add.f32.msk $0xffff, v60  }
0x84: {  	v62 =	vmax.f32 v17, $0.0e+00;
	[tilespmem:v5+s13+$0x0] =	vst.idx.add.f32.msk $0xffff, v61  }
0x85: {  	v63 =	vmax.f32 v14, $0.0e+00;
	[tilespmem:v7+s13+$0x0] =	vst.idx.add.f32.msk $0xffff, v62  }
0x86: {  	[tilespmem:v3+s13+$0x0] =	vst.idx.add.f32.msk $0xffff, v63  }
0x87: {  	s19 =	simm.s32 $0x0  }
0x88: {  	v18 =	vld [tilespmem:s19+$0x8030]  }
0x89: {  	v19 =	vld [tilespmem:s19+$0x9030]  }
0x8a: {  	v20 =	vld [tilespmem:s19+$0x8000]  }
0x8b: {  	v21 =	vld [tilespmem:s19+$0xA030]  }
0x8c: {  	v22 =	vld [tilespmem:s19+$0x8010]  }
0x8d: {  	v23 =	vld [tilespmem:s19+$0xB030]  }
0x8e: {  	v24 =	vld [tilespmem:s19+$0x9010]  }
0x8f: {  	v25 =	vld [tilespmem:s19+$0xC030]  }
0x90: {  	v26 =	vld [tilespmem:s19+$0x8020]  }
0x91: {  	v27 =	vld [tilespmem:s19+$0xD030]  }
0x92: {  	v28 =	vld [tilespmem:s19+$0x9020]  }
0x93: {  	v29 =	vld [tilespmem:s19+$0xE030]  }
0x94: {  	v30 =	vld [tilespmem:s19+$0xA010]  }
0x95: {  	v31 =	vld [tilespmem:s19+$0xF030]  }
0x96: {  	v32 =	vld [tilespmem:s19+$0xA020]  }
0x97: {  	v33 =	vld [tilespmem:s19+$0x10030]  }
0x98: {  	v40 =	vld [tilespmem:s19+$0xB010]  }
0x99: {  	v41 =	vld [tilespmem:s19+$0x11030]  }
0x9a: {  	v42 =	vld [tilespmem:s19+$0xB020]  }
0x9b: {  	v43 =	vld [tilespmem:s19+$0x12030]  }
0x9c: {  	v44 =	vld [tilespmem:s19+$0xC010]  }
0x9d: {  	v45 =	vld [tilespmem:s19+$0x13030]  }
0x9e: {  	v46 =	vld [tilespmem:s19+$0xC020]  }
0x9f: {  	v47 =	vld [tilespmem:s19+$0x14030]  }
0xa0: {  	s18 =	simm.s32 $0x0;
	v48 =	vld [tilespmem:s19+$0xD010]  }
0xa1: {  	s20 =	sand.u32 $0xFC0, s18;
	v50 =	vld [tilespmem:s19+$0x15030]  }
0xa2: {  	v17 =	vld [tilespmem:s20+$0x9000]  }
0xa3: {  	v51 =	vld [tilespmem:s19+$0xD020]  }
0xa4: {  	v16 =	vld [tilespmem:s20+$0xA000]  }
0xa5: {  	v52 =	vld [tilespmem:s19+$0x16030]  }
0xa6: {  	v15 =	vld [tilespmem:s20+$0xB000];
	v18 =	vadd.f32 v19, v18  }
0xa7: {  	v53 =	vld [tilespmem:s19+$0xE010];
	v17 =	vadd.f32 v17, v20  }
0xa8: {  	v14 =	vld [tilespmem:s20+$0xC000];
	v18 =	vadd.f32 v21, v18  }
0xa9: {  	v54 =	vld [tilespmem:s19+$0x17030];
	v16 =	vadd.f32 v16, v17  }
0xaa: {  	v13 =	vld [tilespmem:s20+$0xD000];
	v18 =	vadd.f32 v23, v18  }
0xab: {  	v55 =	vld [tilespmem:s19+$0xF010];
	v15 =	vadd.f32 v15, v16  }
0xac: {  	v12 =	vld [tilespmem:s20+$0xE000];
	v18 =	vadd.f32 v25, v18  }
0xad: {  	v56 =	vld [tilespmem:s19+$0x10010];
	v14 =	vadd.f32 v14, v15  }
0xae: {  	v11 =	vld [tilespmem:s20+$0xF000];
	v18 =	vadd.f32 v27, v18  }
0xaf: {  	v58 =	vld [tilespmem:s19+$0x11010];
	v22 =	vadd.f32 v24, v22;
	v13 =	vadd.f32 v13, v14  }
0xb0: {  	v10 =	vld [tilespmem:s20+$0x10000];
	v49 =	vadd.f32 v28, v26;
	v18 =	vadd.f32 v29, v18  }
0xb1: {  	v60 =	vld [tilespmem:s19+$0x12010];
	v22 =	vadd.f32 v30, v22;
	v12 =	vadd.f32 v12, v13  }
0xb2: {  	v9 =	vld [tilespmem:s20+$0x11000];
	v24 =	vadd.f32 v32, v49;
	v18 =	vadd.f32 v31, v18  }
0xb3: {  	v61 =	vld [tilespmem:s19+$0x13010];
	v19 =	vadd.f32 v40, v22;
	v11 =	vadd.f32 v11, v12  }
0xb4: {  	v8 =	vld [tilespmem:s20+$0x12000];
	v17 =	vadd.f32 v42, v24;
	v18 =	vadd.f32 v33, v18  }
0xb5: {  	v16 =	vadd.f32 v44, v19;
	v10 =	vadd.f32 v10, v11;
	v11 =	vld [tilespmem:s19+$0xE020]  }
0xb6: {  	v7 =	vld [tilespmem:s20+$0x13000];
	v15 =	vadd.f32 v46, v17;
	v18 =	vadd.f32 v41, v18  }
0xb7: {  	v14 =	vadd.f32 v48, v16;
	v9 =	vadd.f32 v9, v10;
	v10 =	vld [tilespmem:s19+$0xF020]  }
0xb8: {  	v6 =	vld [tilespmem:s20+$0x14000];
	v13 =	vadd.f32 v51, v15;
	v57 =	vadd.f32 v43, v18  }
0xb9: {  	v12 =	vadd.f32 v53, v14;
	v8 =	vadd.f32 v8, v9;
	v9 =	vld [tilespmem:s19+$0x10020]  }
0xba: {  	v5 =	vld [tilespmem:s20+$0x15000];
	v11 =	vadd.f32 v11, v13;
	v59 =	vadd.f32 v45, v57  }
0xbb: {  	v12 =	vadd.f32 v55, v12;
	v7 =	vadd.f32 v7, v8;
	v8 =	vld [tilespmem:s19+$0x11020]  }
0xbc: {  	v3 =	vld [tilespmem:s20+$0x16000];
	v10 =	vadd.f32 v10, v11;
	v11 =	vadd.f32 v47, v59  }
0xbd: {  	v12 =	vadd.f32 v56, v12;
	v6 =	vadd.f32 v6, v7;
	v7 =	vld [tilespmem:s19+$0x12020]  }
0xbe: {  	v4 =	vld [tilespmem:s20+$0x17000];
	v9 =	vadd.f32 v9, v10;
	v10 =	vadd.f32 v50, v11  }
0xbf: {  	v11 =	vadd.f32 v58, v12;
	v5 =	vadd.f32 v5, v6;
	v6 =	vld [tilespmem:s19+$0x13020]  }
0xc0: {  	v62 =	vld [tilespmem:s19+$0x14010];
	v8 =	vadd.f32 v8, v9;
	v9 =	vadd.f32 v52, v10  }
0xc1: {  	v10 =	vld [tilespmem:s19+$0x14020];
	v11 =	vadd.f32 v60, v11;
	v5 =	vadd.f32 v3, v5  }
0xc2: {  	v3 =	vld [tilespmem:s19+$0x15010];
	v7 =	vadd.f32 v7, v8;
	v8 =	vadd.f32 v54, v9  }
0xc3: {  	v11 =	vadd.f32 v61, v11;
	v9 =	vadd.f32 v4, v5;
	v4 =	vld [tilespmem:s19+$0x15020]  }
0xc4: {  	v5 =	vld [tilespmem:s19+$0x16010];
	v63 =	vadd.f32 v6, v7  }
0xc5: {  	[tilespmem:s19+$0x18030] =	vst v8;
	v6 =	vld [tilespmem:s19+$0x16020];
	v8 =	vadd.f32 v62, v11  }
0xc6: {  	s21 =	simm.s32 $0x40;
	s20 =	simm.s32 $0x0;
	v7 =	vld [tilespmem:s19+$0x17010];
	[tilespmem:s19+$0x18000] =	vst v9;
	v9 =	vadd.f32 v10, v63  }
.LBB2_8:
0xc7: {  	s22 =	sand.u32 $0xFC0, s21;
	v8 =	vadd.f32 v3, v8;
	v10 =	vld [tilespmem:s19+$0x17020]  }
0xc8: {  	v3 =	vld [tilespmem:s22+$0x17000];
	v9 =	vadd.f32 v4, v9  }
0xc9: {  	v4 =	vld [tilespmem:s22+$0x16000];
	v8 =	vadd.f32 v5, v8  }
0xca: {  	v5 =	vld [tilespmem:s22+$0x15000];
	v6 =	vadd.f32 v6, v9  }
0xcb: {  	v9 =	vld [tilespmem:s22+$0x14000];
	v7 =	vadd.f32 v7, v8  }
0xcc: {  	v8 =	vld [tilespmem:s22+$0x13000];
	v6 =	vadd.f32 v10, v6  }
0xcd: {  	v10 =	vld [tilespmem:s22+$0x12000];
	[tilespmem:s19+$0x18010] =	vst v7  }
0xce: {  	v7 =	vld [tilespmem:s22+$0x11000];
	[tilespmem:s19+$0x18020] =	vst v6  }
0xcf: {  	v6 =	vld [tilespmem:s22+$0x10000]  }
0xd0: {  	v11 =	vld [tilespmem:s22+$0xF000]  }
0xd1: {  	v12 =	vld [tilespmem:s22+$0xE000]  }
0xd2: {  	v13 =	vld [tilespmem:s22+$0xD000]  }
0xd3: {  	v14 =	vld [tilespmem:s22+$0xC000]  }
0xd4: {  	v15 =	vld [tilespmem:s22+$0xB000]  }
0xd5: {  	s18 =	sadd.s32 $0x100, s18;
	v16 =	vld [tilespmem:s22+$0xA000]  }
0xd6: {  	s19 =	sshra.s32 s18, $0x2;
	v17 =	vld [tilespmem:s22+$0x9000]  }
0xd7: {  	s20 =	sadd.s32 $0x4, s20;
	v18 =	vld [tilespmem:s19+$0x8030]  }
0xd8: {  	p0 =	slt.u32 s20, $0xFC;
	v19 =	vld [tilespmem:s19+$0x9030]  }
0xd9: {  	v20 =	vld [tilespmem:s19+$0x8000]  }
0xda: {  	v21 =	vld [tilespmem:s19+$0xA030]  }
0xdb: {  	v22 =	vld [tilespmem:s19+$0x8010]  }
0xdc: {  	v23 =	vld [tilespmem:s19+$0xB030]  }
0xdd: {  	v24 =	vld [tilespmem:s19+$0x9010];
	v18 =	vadd.f32 v19, v18  }
0xde: {  	v17 =	vadd.f32 v17, v20;
	v19 =	vld [tilespmem:s19+$0xC030]  }
0xdf: {  	v20 =	vld [tilespmem:s19+$0x8020];
	v18 =	vadd.f32 v21, v18  }
0xe0: {  	v16 =	vadd.f32 v16, v17;
	v17 =	vld [tilespmem:s19+$0xD030]  }
0xe1: {  	v21 =	vld [tilespmem:s19+$0x9020];
	v18 =	vadd.f32 v23, v18  }
0xe2: {  	v15 =	vadd.f32 v15, v16;
	v16 =	vadd.f32 v24, v22;
	v22 =	vld [tilespmem:s19+$0xE030]  }
0xe3: {  	v23 =	vld [tilespmem:s19+$0xA010];
	v18 =	vadd.f32 v19, v18  }
0xe4: {  	v14 =	vadd.f32 v14, v15;
	v15 =	vld [tilespmem:s19+$0xF030]  }
0xe5: {  	v19 =	vld [tilespmem:s19+$0xA020];
	v17 =	vadd.f32 v17, v18  }
0xe6: {  	v13 =	vadd.f32 v13, v14;
	v14 =	vadd.f32 v21, v20;
	v18 =	vld [tilespmem:s19+$0x10030]  }
0xe7: {  	v20 =	vld [tilespmem:s19+$0xB010];
	v17 =	vadd.f32 v22, v17  }
0xe8: {  	v12 =	vadd.f32 v12, v13;
	v13 =	vadd.f32 v23, v16;
	v16 =	vld [tilespmem:s19+$0x11030]  }
0xe9: {  	v21 =	vld [tilespmem:s19+$0xB020];
	v15 =	vadd.f32 v15, v17  }
0xea: {  	v11 =	vadd.f32 v11, v12;
	v12 =	vadd.f32 v19, v14;
	v14 =	vld [tilespmem:s19+$0x12030]  }
0xeb: {  	v17 =	vld [tilespmem:s19+$0xC010];
	v15 =	vadd.f32 v18, v15  }
0xec: {  	v6 =	vadd.f32 v6, v11;
	v11 =	vadd.f32 v20, v13;
	v13 =	vld [tilespmem:s19+$0x13030]  }
0xed: {  	v18 =	vld [tilespmem:s19+$0xC020];
	v15 =	vadd.f32 v16, v15  }
0xee: {  	v6 =	vadd.f32 v7, v6;
	v7 =	vadd.f32 v21, v12;
	v12 =	vld [tilespmem:s19+$0x14030]  }
0xef: {  	v16 =	vld [tilespmem:s19+$0xD010];
	v14 =	vadd.f32 v14, v15  }
0xf0: {  	v6 =	vadd.f32 v10, v6;
	v10 =	vadd.f32 v17, v11;
	v11 =	vld [tilespmem:s19+$0x15030]  }
0xf1: {  	v15 =	vld [tilespmem:s19+$0xD020];
	v13 =	vadd.f32 v13, v14  }
0xf2: {  	v6 =	vadd.f32 v8, v6;
	v7 =	vadd.f32 v18, v7;
	v8 =	vld [tilespmem:s19+$0x16030]  }
0xf3: {  	v14 =	vld [tilespmem:s19+$0xE010];
	v12 =	vadd.f32 v12, v13  }
0xf4: {  	v6 =	vadd.f32 v9, v6;
	v9 =	vadd.f32 v16, v10;
	v10 =	vld [tilespmem:s19+$0x17030]  }
0xf5: {  	v13 =	vld [tilespmem:s19+$0xE020];
	v11 =	vadd.f32 v11, v12  }
0xf6: {  	v5 =	vadd.f32 v5, v6;
	v6 =	vld [tilespmem:s19+$0xF010];
	v7 =	vadd.f32 v15, v7  }
0xf7: {  	v12 =	vld [tilespmem:s19+$0xF020];
	v8 =	vadd.f32 v8, v11  }
0xf8: {  	v4 =	vadd.f32 v4, v5;
	v5 =	vadd.f32 v14, v9;
	v9 =	vld [tilespmem:s19+$0x10010]  }
0xf9: {  	v11 =	vld [tilespmem:s19+$0x10020];
	v8 =	vadd.f32 v10, v8  }
0xfa: {  	v3 =	vadd.f32 v3, v4;
	v4 =	vld [tilespmem:s19+$0x11010];
	v7 =	vadd.f32 v13, v7  }
0xfb: {  	v5 =	vadd.f32 v6, v5;
	v6 =	vld [tilespmem:s19+$0x11020];
	[tilespmem:s19+$0x18030] =	vst v8  }
0xfc: {  	[tilespmem:s19+$0x18000] =	vst v3;
	v3 =	vld [tilespmem:s19+$0x12010];
	v7 =	vadd.f32 v12, v7  }
0xfd: {  	v5 =	vadd.f32 v9, v5;
	v8 =	vld [tilespmem:s19+$0x12020]  }
0xfe: {  	v9 =	vld [tilespmem:s19+$0x13010];
	v7 =	vadd.f32 v11, v7  }
0xff: {  	v4 =	vadd.f32 v4, v5;
	v10 =	vld [tilespmem:s19+$0x13020]  }
0x100: {  	v11 =	vld [tilespmem:s19+$0x14010];
	v5 =	vadd.f32 v6, v7  }
0x101: {  	v4 =	vadd.f32 v3, v4;
	v12 =	vld [tilespmem:s19+$0x14020]  }
.Ltmp3:
0x102: {  	v3 =	vld [tilespmem:s19+$0x15010];
	v6 =	vadd.f32 v8, v5;
	(pc) =	sbr.rel @p0 .LBB2_8-.Ltmp3, $4  }
0x103: {  	v7 =	vadd.f32 v9, v4;
	v4 =	vld [tilespmem:s19+$0x15020]  }
0x104: {  	v5 =	vld [tilespmem:s19+$0x16010];
	v9 =	vadd.f32 v10, v6  }
0x105: {  	v8 =	vadd.f32 v11, v7;
	v6 =	vld [tilespmem:s19+$0x16020]  }
0x106: {  	s21 =	sadd.s32 $0x40, s21;
	v7 =	vld [tilespmem:s19+$0x17010];
	v9 =	vadd.f32 v12, v9  }
0x107: {  	v3 =	vadd.f32 v3, v8;
	v63 =	vld [tilespmem:s19+$0x17020]  }
0x108: {  	v4 =	vadd.f32 v4, v9  }
0x109: {  	v3 =	vadd.f32 v5, v3  }
0x10a: {  	v4 =	vadd.f32 v6, v4  }
0x10b: {  	v3 =	vadd.f32 v7, v3  }
0x10c: {  	v4 =	vadd.f32 v63, v4  }
0x10d: {  	[tilespmem:s19+$0x18010] =	vst v3  }
0x10e: {  	[tilespmem:s19+$0x18020] =	vst v4  }
0x10f: {  	[hbm4b:s6+s9] =	stream.strided.scatter [tilespmem:s15], [sflag:$0x1], $0x1000, s14, s9, $0x38;
	[tilespmem:$0x19080] =	vst v63  }
0x110: {  	_ =	swait.ge [sflag:s11], $0x1000  }
0x111: {  	v2 =	vcvt.s32.f32 v2;
	s17 =	sadd.s32 $0x1, s17;
	[sflag:s11] =	ssyncset.done $0x0  }
0x112: {  	p0 =	sne.s32 s17, s8;
	[sflag:s11] =	ssyncadd.s32 $0xFFFFF000  }
.Ltmp4:
0x113: {  	[tilespmem:$0x19000] =	vst v2;
	(pc) =	sbr.rel @p0 .LBB2_1-.Ltmp4, $4  }
0x114: {  	[hbm4b:s7+s2] =	stream.linear.scatter [tilespmem:s16], [sflag:$0x1], $0x80, $0x38;
	[tilespmem:$0x19080] =	vst v63  }
0x115: {  	_ =	swait.ge [sflag:s11], $0x80  }
0x116: {  	[sflag:s11] =	ssyncset.done $0x0  }
0x117: {  	[sflag:s11] =	ssyncadd.s32 $0xFFFFFF80  }
0x118: {  	_ =	sfence.sel $0x180000  }
0x119: {  	[bflag:$0x0] =	sbarrier.arrive $0xFFFF  }
0x11a: {  	p0 =	sne.s32 s1, $0x0;
	_ =	strace $0x90000047  }
0x11b: {  	s0 =	sadd.s32 @!p0 $0x100000, s0;
	[bflag:$0x2] =	sbarrier.arrive $0xFFFF  }
0x11c: {  	[sflag:s0] =	ssyncadd.tile.s32 @!p0 $0x1;
	_ =	shalt  }
.Lfunc_end2:
_tile_overlayer_lowered:
.L_overlay_start_2:
0x11d: {  	(tag) =	ssettag $0x2  }
0x11e: {  	s0 =	rddreg [dreg:$0x0];
	s2 =	stileid.u32  }
0x11f: {  	s1 =	rddreg [dreg:$0x1];
	p0 =	sne.s32 s2, $0x0  }
0x120: {  	s3 =	rddreg [dreg:$0x2];
	[bflag:$0x3] =	sbarrier.arrive $0xFFFF;
	s2 =	simm.s32 @!p0 $0x1C01  }
0x121: {  	[timem:s3], [sflag:s2] =	dma.local @!p0 [hbm:s0], s1  }
0x122: {  	s0 =	simm.s32 @!p0 $0x1  }
0x123: {  	_ =	swait.ge @!p0 [sflag:s0], s1  }
0x124: {  	s1 =	ssub.s32 @!p0 $0x0, s1;
	[sflag:s0] =	ssyncset.done @!p0 $0x0  }
0x125: {  	[sflag:s0] =	ssyncadd.s32 @!p0 s1  }
0x126: {  	[bflag:$0x3] =	sbarrier.arrive $0xFFFF  }
0x127: {  	_ =	shalt  }

</sc_bundles>
